<compile_context>
chip_gen: v7x
topology: tpu7x:2x2x1
jax: 0.10.2.dev20260603
libtpu: 0.0.44.dev20260713+nightly
codegen_flags: <defaults>
</compile_context>

<pallas_src>
import functools

import jax
import jax.numpy as jnp
from jax import lax
from jax.experimental import pallas as pl
from jax.experimental.pallas import tpu as pltpu
from jax.experimental.pallas import tpu_sc as plsc


def _gather_call(V: int, D: int, N: int):
  info = plsc.get_sparse_core_info()
  NC, NS = info.num_cores, info.num_subcores
  NW = NC * NS
  assert N % NW == 0
  n_per_w = N // NW
  CHUNK = 128
  assert n_per_w % CHUNK == 0
  n_chunks = n_per_w // CHUNK
  RING = 8
  GDEPTH = 5
  assert n_chunks % RING == 0

  mesh = plsc.VectorSubcoreMesh(core_axis_name="c", subcore_axis_name="s")

  @functools.partial(
      pl.kernel,
      out_type=jax.ShapeDtypeStruct((N, D), jnp.float32),
      mesh=mesh,
      compiler_params=pltpu.CompilerParams(use_tc_tiling_on_sc=False),
      scratch_types=[
          pltpu.VMEM((n_chunks, CHUNK), jnp.int32),
          pltpu.VMEM((RING * CHUNK, D), jnp.float32),
      ] + [pltpu.SemaphoreType.DMA] * (2 * RING),
  )
  def gather_kernel(table_hbm, idx_hbm, out_hbm, idx_v, rows_v, *sems):
    gsem, osem = sems[:RING], sems[RING:]
    wid = lax.axis_index("s") * NC + lax.axis_index("c")
    base = wid * n_per_w
    pltpu.sync_copy(idx_hbm.at[wid], idx_v)

    def slot(s):
      return rows_v.at[pl.ds(s * CHUNK, CHUNK)]

    def fire(c, s):
      pltpu.async_copy(table_hbm.at[idx_v.at[c]], slot(s), gsem[s])

    def drain(s, sem):
      pltpu.make_async_copy(table_hbm.at[pl.ds(0, CHUNK)], slot(s), sem).wait()

    for s in range(GDEPTH):
      fire(s, s)

    @pl.loop(0, n_chunks, step=RING)
    def _(c0):
      for k in range(RING):
        c = c0 + k
        drain(k, gsem[k])
        pltpu.async_copy(
            slot(k), out_hbm.at[pl.ds(base + c * CHUNK, CHUNK)], osem[k]
        )
        s2 = (k + GDEPTH) % RING

        @pl.when(c >= RING - GDEPTH)
        def _():
          drain(s2, osem[s2])

        @pl.when(c + GDEPTH < n_chunks)
        def _():
          fire(c + GDEPTH, s2)

    for s in range(GDEPTH, RING):
      drain(s, osem[s])

  return gather_kernel, NW, n_chunks, CHUNK


def kernel(x, t):
  V, D = x.shape
  B, F = t.shape
  N = B * F
  call, NW, n_chunks, CHUNK = _gather_call(V, D, N)
  idx = t.reshape(NW, n_chunks, CHUNK).astype(jnp.int32)
  out = call(x, idx)
  return out.reshape(B, F * D)

# --- scband reference (transcript-rebuilt; emitter-appended) ---
"""Pipeline reference for scband-tuple-creator-747324310065 (READ-ONLY COPY).

The authoritative reference and input builder live on the scoring server;
editing this copy changes nothing except your own understanding.
"""

import jax, jax.numpy as jnp
import numpy as np

def setup_inputs(seed: int = 0) -> dict:
    key = jax.random.key(seed)
    k_x, k_t = jax.random.split(key)
    x = jax.random.normal(k_x, (1000000, 64), dtype=jnp.float32)
    t = jax.random.randint(k_t, (16384, 26), 0, 1000000, dtype=jnp.int64)
    return {"x": x, "t": t}

def reference(x, t):
    # x[t]: gather rows of the table -> [B, F, d]
    gathered = jnp.take(x, t, axis=0)
    # view([t.shape[0], -1]) -> [B, F*d]
    out = gathered.reshape((t.shape[0], -1))
    return out

if __name__ == "__main__":
    import jax
    _d = setup_inputs()
    print(jax.jit(kernel)(*tuple(_d.values())))

</pallas_src>

<mosaic_0001>
#map = affine_map<(d0, d1) -> (0, 0)>
#map1 = affine_map<(d0, d1) -> (0, 0, 0)>
module attributes {stable_mosaic.version = 14 : i64} {
  func.func @gather_kernel(%arg0: i32, %arg1: i32, %arg2: memref<1000000x64xf32, #tpu.memory_space<hbm>>, %arg3: memref<32x104x128xi32, #tpu.memory_space<hbm>>, %arg4: memref<425984x64xf32, #tpu.memory_space<hbm>>, %arg5: memref<104x128xi32, #tpu.memory_space<vmem>>, %arg6: memref<1024x64xf32, #tpu.memory_space<vmem>>, %arg7: memref<!tpu.dma_semaphore, #tpu.memory_space<semaphore_mem>>, %arg8: memref<!tpu.dma_semaphore, #tpu.memory_space<semaphore_mem>>, %arg9: memref<!tpu.dma_semaphore, #tpu.memory_space<semaphore_mem>>, %arg10: memref<!tpu.dma_semaphore, #tpu.memory_space<semaphore_mem>>, %arg11: memref<!tpu.dma_semaphore, #tpu.memory_space<semaphore_mem>>, %arg12: memref<!tpu.dma_semaphore, #tpu.memory_space<semaphore_mem>>, %arg13: memref<!tpu.dma_semaphore, #tpu.memory_space<semaphore_mem>>, %arg14: memref<!tpu.dma_semaphore, #tpu.memory_space<semaphore_mem>>, %arg15: memref<!tpu.dma_semaphore, #tpu.memory_space<semaphore_mem>>, %arg16: memref<!tpu.dma_semaphore, #tpu.memory_space<semaphore_mem>>, %arg17: memref<!tpu.dma_semaphore, #tpu.memory_space<semaphore_mem>>, %arg18: memref<!tpu.dma_semaphore, #tpu.memory_space<semaphore_mem>>, %arg19: memref<!tpu.dma_semaphore, #tpu.memory_space<semaphore_mem>>, %arg20: memref<!tpu.dma_semaphore, #tpu.memory_space<semaphore_mem>>, %arg21: memref<!tpu.dma_semaphore, #tpu.memory_space<semaphore_mem>>, %arg22: memref<!tpu.dma_semaphore, #tpu.memory_space<semaphore_mem>>) attributes {dimension_semantics = [#tpu.dimension_semantics<core_parallel>, #tpu.dimension_semantics<subcore_parallel>], iteration_bounds = array<i64: 2, 16>, scalar_prefetch = 0 : i64, scratch_operands = 18 : i64, tpu.core_type = #tpu.core_type<sc_vector_subcore>, window_params = [{transform_indices = #map}, {transform_indices = #map1}, {transform_indices = #map}]} {
    %mul3A = arith.constant 2 : i32
    %mul3A_0 = arith.muli %arg1, %mul3A : i32
    %add3A = arith.addi %mul3A_0, %arg0 : i32
    %mul3A_1 = arith.constant 13312 : i32
    %mul3A_2 = arith.muli %add3A, %mul3A_1 : i32
    "tpu.region"() ({
      %run_scoped3A = tpu.sem_alloc : memref<!tpu.dma_semaphore, #tpu.memory_space<semaphore_mem>>
      %dma_start3A_91 = arith.constant 0 : i32
      %dma_start3A_92 = arith.constant 0 : i32
      %dma_start3A_93 = tpu.memref_slice %arg3[%add3A, %dma_start3A_91, %dma_start3A_92] : memref<32x104x128xi32, #tpu.memory_space<hbm>> -> memref<1x104x128xi32, #tpu.memory_space<hbm>>
      %dma_start3A_94 = tpu.memref_squeeze %dma_start3A_93 : memref<1x104x128xi32, #tpu.memory_space<hbm>> -> memref<104x128xi32, #tpu.memory_space<hbm>>
      %dma_start3A_95 = arith.constant 0 : i32
      %dma_start3A_96 = arith.constant 0 : i32
      %dma_start3A_97 = tpu.memref_slice %arg3[%add3A, %dma_start3A_95, %dma_start3A_96] : memref<32x104x128xi32, #tpu.memory_space<hbm>> -> memref<1x104x128xi32, #tpu.memory_space<hbm>>
      %dma_start3A_98 = tpu.memref_squeeze %dma_start3A_97 : memref<1x104x128xi32, #tpu.memory_space<hbm>> -> memref<104x128xi32, #tpu.memory_space<hbm>>
      tpu.enqueue_dma source(%dma_start3A_98 : memref<104x128xi32, #tpu.memory_space<hbm>>) target(%arg5 : memref<104x128xi32, #tpu.memory_space<vmem>>) target_semaphore(%run_scoped3A : memref<!tpu.dma_semaphore, #tpu.memory_space<semaphore_mem>>)
      %dma_wait3A_99 = arith.constant 0 : i32
      %dma_wait3A_100 = arith.constant 0 : i32
      %dma_wait3A_101 = tpu.memref_slice %arg3[%add3A, %dma_wait3A_99, %dma_wait3A_100] : memref<32x104x128xi32, #tpu.memory_space<hbm>> -> memref<1x104x128xi32, #tpu.memory_space<hbm>>
      %dma_wait3A_102 = tpu.memref_squeeze %dma_wait3A_101 : memref<1x104x128xi32, #tpu.memory_space<hbm>> -> memref<104x128xi32, #tpu.memory_space<hbm>>
      %dma_wait3A_103 = arith.constant 0 : i32
      %dma_wait3A_104 = arith.constant 0 : i32
      %dma_wait3A_105 = tpu.memref_slice %arg3[%add3A, %dma_wait3A_103, %dma_wait3A_104] : memref<32x104x128xi32, #tpu.memory_space<hbm>> -> memref<1x104x128xi32, #tpu.memory_space<hbm>>
      %dma_wait3A_106 = tpu.memref_squeeze %dma_wait3A_105 : memref<1x104x128xi32, #tpu.memory_space<hbm>> -> memref<104x128xi32, #tpu.memory_space<hbm>>
      tpu.wait_dma2 semaphore(%run_scoped3A : memref<!tpu.dma_semaphore, #tpu.memory_space<semaphore_mem>>) src(%dma_wait3A_106 : memref<104x128xi32, #tpu.memory_space<hbm>>) dst(%arg5 : memref<104x128xi32, #tpu.memory_space<vmem>>)
      tpu.yield
    }) : () -> ()
    %dma_start3A = arith.constant 0 : i32
    %dma_start3A_3 = arith.constant 0 : i32
    %dma_start3A_4 = arith.constant 0 : i32
    %dma_start3A_5 = tpu.memref_slice %arg6[%dma_start3A_3, %dma_start3A_4] : memref<1024x64xf32, #tpu.memory_space<vmem>> -> memref<128x64xf32, #tpu.memory_space<vmem>>
    %dma_start3A_6 = arith.constant 0 : i32
    %dma_start3A_7 = tpu.memref_slice %arg5[%dma_start3A, %dma_start3A_6] : memref<104x128xi32, #tpu.memory_space<vmem>> -> memref<1x128xi32, #tpu.memory_space<vmem>>
    %dma_start3A_8 = tpu.memref_squeeze %dma_start3A_7 : memref<1x128xi32, #tpu.memory_space<vmem>> -> memref<128xi32, #tpu.memory_space<vmem>>
    %dma_start3A_9 = arith.constant 0 : i32
    %dma_start3A_10 = arith.constant 0 : i32
    %dma_start3A_11 = tpu.memref_slice %arg2[%dma_start3A_9, %dma_start3A_10] : memref<1000000x64xf32, #tpu.memory_space<hbm>> -> memref<1000000x64xf32, #tpu.memory_space<hbm>>
    tpu.enqueue_indirect_dma source(%dma_start3A_11 : memref<1000000x64xf32, #tpu.memory_space<hbm>>) target(%dma_start3A_5 : memref<128x64xf32, #tpu.memory_space<vmem>>) offsets(%dma_start3A_8 : memref<128xi32, #tpu.memory_space<vmem>>) semaphore(%arg7 : memref<!tpu.dma_semaphore, #tpu.memory_space<semaphore_mem>>)
    %dma_start3A_12 = arith.constant 1 : i32
    %dma_start3A_13 = arith.constant 128 : i32
    %dma_start3A_14 = arith.constant 0 : i32
    %dma_start3A_15 = tpu.memref_slice %arg6[%dma_start3A_13, %dma_start3A_14] : memref<1024x64xf32, #tpu.memory_space<vmem>> -> memref<128x64xf32, #tpu.memory_space<vmem>>
    %dma_start3A_16 = arith.constant 0 : i32
    %dma_start3A_17 = tpu.memref_slice %arg5[%dma_start3A_12, %dma_start3A_16] : memref<104x128xi32, #tpu.memory_space<vmem>> -> memref<1x128xi32, #tpu.memory_space<vmem>>
    %dma_start3A_18 = tpu.memref_squeeze %dma_start3A_17 : memref<1x128xi32, #tpu.memory_space<vmem>> -> memref<128xi32, #tpu.memory_space<vmem>>
    %dma_start3A_19 = arith.constant 0 : i32
    %dma_start3A_20 = arith.constant 0 : i32
    %dma_start3A_21 = tpu.memref_slice %arg2[%dma_start3A_19, %dma_start3A_20] : memref<1000000x64xf32, #tpu.memory_space<hbm>> -> memref<1000000x64xf32, #tpu.memory_space<hbm>>
    tpu.enqueue_indirect_dma source(%dma_start3A_21 : memref<1000000x64xf32, #tpu.memory_space<hbm>>) target(%dma_start3A_15 : memref<128x64xf32, #tpu.memory_space<vmem>>) offsets(%dma_start3A_18 : memref<128xi32, #tpu.memory_space<vmem>>) semaphore(%arg8 : memref<!tpu.dma_semaphore, #tpu.memory_space<semaphore_mem>>)
    %dma_start3A_22 = arith.constant 2 : i32
    %dma_start3A_23 = arith.constant 256 : i32
    %dma_start3A_24 = arith.constant 0 : i32
    %dma_start3A_25 = tpu.memref_slice %arg6[%dma_start3A_23, %dma_start3A_24] : memref<1024x64xf32, #tpu.memory_space<vmem>> -> memref<128x64xf32, #tpu.memory_space<vmem>>
    %dma_start3A_26 = arith.constant 0 : i32
    %dma_start3A_27 = tpu.memref_slice %arg5[%dma_start3A_22, %dma_start3A_26] : memref<104x128xi32, #tpu.memory_space<vmem>> -> memref<1x128xi32, #tpu.memory_space<vmem>>
    %dma_start3A_28 = tpu.memref_squeeze %dma_start3A_27 : memref<1x128xi32, #tpu.memory_space<vmem>> -> memref<128xi32, #tpu.memory_space<vmem>>
    %dma_start3A_29 = arith.constant 0 : i32
    %dma_start3A_30 = arith.constant 0 : i32
    %dma_start3A_31 = tpu.memref_slice %arg2[%dma_start3A_29, %dma_start3A_30] : memref<1000000x64xf32, #tpu.memory_space<hbm>> -> memref<1000000x64xf32, #tpu.memory_space<hbm>>
    tpu.enqueue_indirect_dma source(%dma_start3A_31 : memref<1000000x64xf32, #tpu.memory_space<hbm>>) target(%dma_start3A_25 : memref<128x64xf32, #tpu.memory_space<vmem>>) offsets(%dma_start3A_28 : memref<128xi32, #tpu.memory_space<vmem>>) semaphore(%arg9 : memref<!tpu.dma_semaphore, #tpu.memory_space<semaphore_mem>>)
    %dma_start3A_32 = arith.constant 3 : i32
    %dma_start3A_33 = arith.constant 384 : i32
    %dma_start3A_34 = arith.constant 0 : i32
    %dma_start3A_35 = tpu.memref_slice %arg6[%dma_start3A_33, %dma_start3A_34] : memref<1024x64xf32, #tpu.memory_space<vmem>> -> memref<128x64xf32, #tpu.memory_space<vmem>>
    %dma_start3A_36 = arith.constant 0 : i32
    %dma_start3A_37 = tpu.memref_slice %arg5[%dma_start3A_32, %dma_start3A_36] : memref<104x128xi32, #tpu.memory_space<vmem>> -> memref<1x128xi32, #tpu.memory_space<vmem>>
    %dma_start3A_38 = tpu.memref_squeeze %dma_start3A_37 : memref<1x128xi32, #tpu.memory_space<vmem>> -> memref<128xi32, #tpu.memory_space<vmem>>
    %dma_start3A_39 = arith.constant 0 : i32
    %dma_start3A_40 = arith.constant 0 : i32
    %dma_start3A_41 = tpu.memref_slice %arg2[%dma_start3A_39, %dma_start3A_40] : memref<1000000x64xf32, #tpu.memory_space<hbm>> -> memref<1000000x64xf32, #tpu.memory_space<hbm>>
    tpu.enqueue_indirect_dma source(%dma_start3A_41 : memref<1000000x64xf32, #tpu.memory_space<hbm>>) target(%dma_start3A_35 : memref<128x64xf32, #tpu.memory_space<vmem>>) offsets(%dma_start3A_38 : memref<128xi32, #tpu.memory_space<vmem>>) semaphore(%arg10 : memref<!tpu.dma_semaphore, #tpu.memory_space<semaphore_mem>>)
    %dma_start3A_42 = arith.constant 4 : i32
    %dma_start3A_43 = arith.constant 512 : i32
    %dma_start3A_44 = arith.constant 0 : i32
    %dma_start3A_45 = tpu.memref_slice %arg6[%dma_start3A_43, %dma_start3A_44] : memref<1024x64xf32, #tpu.memory_space<vmem>> -> memref<128x64xf32, #tpu.memory_space<vmem>>
    %dma_start3A_46 = arith.constant 0 : i32
    %dma_start3A_47 = tpu.memref_slice %arg5[%dma_start3A_42, %dma_start3A_46] : memref<104x128xi32, #tpu.memory_space<vmem>> -> memref<1x128xi32, #tpu.memory_space<vmem>>
    %dma_start3A_48 = tpu.memref_squeeze %dma_start3A_47 : memref<1x128xi32, #tpu.memory_space<vmem>> -> memref<128xi32, #tpu.memory_space<vmem>>
    %dma_start3A_49 = arith.constant 0 : i32
    %dma_start3A_50 = arith.constant 0 : i32
    %dma_start3A_51 = tpu.memref_slice %arg2[%dma_start3A_49, %dma_start3A_50] : memref<1000000x64xf32, #tpu.memory_space<hbm>> -> memref<1000000x64xf32, #tpu.memory_space<hbm>>
    tpu.enqueue_indirect_dma source(%dma_start3A_51 : memref<1000000x64xf32, #tpu.memory_space<hbm>>) target(%dma_start3A_45 : memref<128x64xf32, #tpu.memory_space<vmem>>) offsets(%dma_start3A_48 : memref<128xi32, #tpu.memory_space<vmem>>) semaphore(%arg11 : memref<!tpu.dma_semaphore, #tpu.memory_space<semaphore_mem>>)
    %scan3A = arith.constant 0 : i32
    %scan3A_52 = arith.constant 13 : i32
    %scan3A_53 = arith.addi %scan3A, %scan3A_52 : i32
    %scan3A_54 = arith.constant 1 : i32
    scf.for %scan3A_91 = %scan3A to %scan3A_53 step %scan3A_54  : i32 {
      %mul3A_92 = arith.constant 8 : i32
      %mul3A_93 = arith.muli %scan3A_91, %mul3A_92 : i32
      %add3A_94 = arith.constant 0 : i32
      %add3A_95 = arith.addi %add3A_94, %mul3A_93 : i32
      %add3A_96 = arith.constant 0 : i32
      %add3A_97 = arith.addi %add3A_95, %add3A_96 : i32
      %dma_wait3A_98 = arith.constant 0 : i32
      %dma_wait3A_99 = arith.constant 0 : i32
      %dma_wait3A_100 = tpu.memref_slice %arg6[%dma_wait3A_98, %dma_wait3A_99] : memref<1024x64xf32, #tpu.memory_space<vmem>> -> memref<128x64xf32, #tpu.memory_space<vmem>>
      %dma_wait3A_101 = arith.constant 0 : i32
      %dma_wait3A_102 = arith.constant 0 : i32
      %dma_wait3A_103 = tpu.memref_slice %arg2[%dma_wait3A_101, %dma_wait3A_102] : memref<1000000x64xf32, #tpu.memory_space<hbm>> -> memref<128x64xf32, #tpu.memory_space<hbm>>
      %dma_wait3A_104 = arith.constant 0 : i32
      %dma_wait3A_105 = arith.constant 0 : i32
      %dma_wait3A_106 = tpu.memref_slice %arg6[%dma_wait3A_104, %dma_wait3A_105] : memref<1024x64xf32, #tpu.memory_space<vmem>> -> memref<128x64xf32, #tpu.memory_space<vmem>>
      %dma_wait3A_107 = arith.constant 0 : i32
      %dma_wait3A_108 = arith.constant 0 : i32
      %dma_wait3A_109 = tpu.memref_slice %arg2[%dma_wait3A_107, %dma_wait3A_108] : memref<1000000x64xf32, #tpu.memory_space<hbm>> -> memref<128x64xf32, #tpu.memory_space<hbm>>
      tpu.wait_dma2 semaphore(%arg7 : memref<!tpu.dma_semaphore, #tpu.memory_space<semaphore_mem>>) src(%dma_wait3A_109 : memref<128x64xf32, #tpu.memory_space<hbm>>) dst(%dma_wait3A_106 : memref<128x64xf32, #tpu.memory_space<vmem>>)
      %mul3A_110 = arith.constant 128 : i32
      %mul3A_111 = arith.muli %add3A_97, %mul3A_110 : i32
      %add3A_112 = arith.addi %mul3A_2, %mul3A_111 : i32
      %dma_start3A_113 = arith.constant 0 : i32
      %dma_start3A_114 = arith.constant 0 : i32
      %dma_start3A_115 = tpu.memref_slice %arg6[%dma_start3A_113, %dma_start3A_114] : memref<1024x64xf32, #tpu.memory_space<vmem>> -> memref<128x64xf32, #tpu.memory_space<vmem>>
      %dma_start3A_116 = arith.constant 0 : i32
      %dma_start3A_117 = tpu.memref_slice %arg4[%add3A_112, %dma_start3A_116] : memref<425984x64xf32, #tpu.memory_space<hbm>> -> memref<128x64xf32, #tpu.memory_space<hbm>>
      %dma_start3A_118 = arith.constant 0 : i32
      %dma_start3A_119 = tpu.memref_slice %arg4[%add3A_112, %dma_start3A_118] : memref<425984x64xf32, #tpu.memory_space<hbm>> -> memref<128x64xf32, #tpu.memory_space<hbm>>
      %dma_start3A_120 = arith.constant 0 : i32
      %dma_start3A_121 = arith.constant 0 : i32
      %dma_start3A_122 = tpu.memref_slice %arg6[%dma_start3A_120, %dma_start3A_121] : memref<1024x64xf32, #tpu.memory_space<vmem>> -> memref<128x64xf32, #tpu.memory_space<vmem>>
      tpu.enqueue_dma source(%dma_start3A_122 : memref<128x64xf32, #tpu.memory_space<vmem>>) target(%dma_start3A_119 : memref<128x64xf32, #tpu.memory_space<hbm>>) target_semaphore(%arg15 : memref<!tpu.dma_semaphore, #tpu.memory_space<semaphore_mem>>)
      %ge3A = arith.constant 3 : i32
      %ge3A_123 = arith.cmpi sge, %add3A_97, %ge3A : i32
      %convert_element_type3A = arith.extui %ge3A_123 : i1 to i32
      %cond3A = arith.constant 0 : i32
      %cond3A_124 = arith.cmpi ne, %convert_element_type3A, %cond3A : i32
      scf.if %cond3A_124 {
        %dma_wait3A_404 = arith.constant 640 : i32
        %dma_wait3A_405 = arith.constant 0 : i32
        %dma_wait3A_406 = tpu.memref_slice %arg6[%dma_wait3A_404, %dma_wait3A_405] : memref<1024x64xf32, #tpu.memory_space<vmem>> -> memref<128x64xf32, #tpu.memory_space<vmem>>
        %dma_wait3A_407 = arith.constant 0 : i32
        %dma_wait3A_408 = arith.constant 0 : i32
        %dma_wait3A_409 = tpu.memref_slice %arg2[%dma_wait3A_407, %dma_wait3A_408] : memref<1000000x64xf32, #tpu.memory_space<hbm>> -> memref<128x64xf32, #tpu.memory_space<hbm>>
        %dma_wait3A_410 = arith.constant 640 : i32
        %dma_wait3A_411 = arith.constant 0 : i32
        %dma_wait3A_412 = tpu.memref_slice %arg6[%dma_wait3A_410, %dma_wait3A_411] : memref<1024x64xf32, #tpu.memory_space<vmem>> -> memref<128x64xf32, #tpu.memory_space<vmem>>
        %dma_wait3A_413 = arith.constant 0 : i32
        %dma_wait3A_414 = arith.constant 0 : i32
        %dma_wait3A_415 = tpu.memref_slice %arg2[%dma_wait3A_413, %dma_wait3A_414] : memref<1000000x64xf32, #tpu.memory_space<hbm>> -> memref<128x64xf32, #tpu.memory_space<hbm>>
        tpu.wait_dma2 semaphore(%arg20 : memref<!tpu.dma_semaphore, #tpu.memory_space<semaphore_mem>>) src(%dma_wait3A_415 : memref<128x64xf32, #tpu.memory_space<hbm>>) dst(%dma_wait3A_412 : memref<128x64xf32, #tpu.memory_space<vmem>>)
      } else {
      }
      %add3A_125 = arith.constant 5 : i32
      %add3A_126 = arith.addi %add3A_97, %add3A_125 : i32
      %lt3A = arith.constant 104 : i32
      %lt3A_127 = arith.cmpi slt, %add3A_126, %lt3A : i32
      %convert_element_type3A_128 = arith.extui %lt3A_127 : i1 to i32
      %cond3A_129 = arith.constant 0 : i32
      %cond3A_130 = arith.cmpi ne, %convert_element_type3A_128, %cond3A_129 : i32
      scf.if %cond3A_130 {
        %add3A_404 = arith.constant 5 : i32
        %add3A_405 = arith.addi %add3A_97, %add3A_404 : i32
        %dma_start3A_406 = arith.constant 640 : i32
        %dma_start3A_407 = arith.constant 0 : i32
        %dma_start3A_408 = tpu.memref_slice %arg6[%dma_start3A_406, %dma_start3A_407] : memref<1024x64xf32, #tpu.memory_space<vmem>> -> memref<128x64xf32, #tpu.memory_space<vmem>>
        %dma_start3A_409 = arith.constant 0 : i32
        %dma_start3A_410 = tpu.memref_slice %arg5[%add3A_405, %dma_start3A_409] : memref<104x128xi32, #tpu.memory_space<vmem>> -> memref<1x128xi32, #tpu.memory_space<vmem>>
        %dma_start3A_411 = tpu.memref_squeeze %dma_start3A_410 : memref<1x128xi32, #tpu.memory_space<vmem>> -> memref<128xi32, #tpu.memory_space<vmem>>
        %dma_start3A_412 = arith.constant 0 : i32
        %dma_start3A_413 = arith.constant 0 : i32
        %dma_start3A_414 = tpu.memref_slice %arg2[%dma_start3A_412, %dma_start3A_413] : memref<1000000x64xf32, #tpu.memory_space<hbm>> -> memref<1000000x64xf32, #tpu.memory_space<hbm>>
        tpu.enqueue_indirect_dma source(%dma_start3A_414 : memref<1000000x64xf32, #tpu.memory_space<hbm>>) target(%dma_start3A_408 : memref<128x64xf32, #tpu.memory_space<vmem>>) offsets(%dma_start3A_411 : memref<128xi32, #tpu.memory_space<vmem>>) semaphore(%arg12 : memref<!tpu.dma_semaphore, #tpu.memory_space<semaphore_mem>>)
      } else {
      }
      %add3A_131 = arith.constant 1 : i32
      %add3A_132 = arith.addi %add3A_95, %add3A_131 : i32
      %dma_wait3A_133 = arith.constant 128 : i32
      %dma_wait3A_134 = arith.constant 0 : i32
      %dma_wait3A_135 = tpu.memref_slice %arg6[%dma_wait3A_133, %dma_wait3A_134] : memref<1024x64xf32, #tpu.memory_space<vmem>> -> memref<128x64xf32, #tpu.memory_space<vmem>>
      %dma_wait3A_136 = arith.constant 0 : i32
      %dma_wait3A_137 = arith.constant 0 : i32
      %dma_wait3A_138 = tpu.memref_slice %arg2[%dma_wait3A_136, %dma_wait3A_137] : memref<1000000x64xf32, #tpu.memory_space<hbm>> -> memref<128x64xf32, #tpu.memory_space<hbm>>
      %dma_wait3A_139 = arith.constant 128 : i32
      %dma_wait3A_140 = arith.constant 0 : i32
      %dma_wait3A_141 = tpu.memref_slice %arg6[%dma_wait3A_139, %dma_wait3A_140] : memref<1024x64xf32, #tpu.memory_space<vmem>> -> memref<128x64xf32, #tpu.memory_space<vmem>>
      %dma_wait3A_142 = arith.constant 0 : i32
      %dma_wait3A_143 = arith.constant 0 : i32
      %dma_wait3A_144 = tpu.memref_slice %arg2[%dma_wait3A_142, %dma_wait3A_143] : memref<1000000x64xf32, #tpu.memory_space<hbm>> -> memref<128x64xf32, #tpu.memory_space<hbm>>
      tpu.wait_dma2 semaphore(%arg8 : memref<!tpu.dma_semaphore, #tpu.memory_space<semaphore_mem>>) src(%dma_wait3A_144 : memref<128x64xf32, #tpu.memory_space<hbm>>) dst(%dma_wait3A_141 : memref<128x64xf32, #tpu.memory_space<vmem>>)
      %mul3A_145 = arith.constant 128 : i32
      %mul3A_146 = arith.muli %add3A_132, %mul3A_145 : i32
      %add3A_147 = arith.addi %mul3A_2, %mul3A_146 : i32
      %dma_start3A_148 = arith.constant 128 : i32
      %dma_start3A_149 = arith.constant 0 : i32
      %dma_start3A_150 = tpu.memref_slice %arg6[%dma_start3A_148, %dma_start3A_149] : memref<1024x64xf32, #tpu.memory_space<vmem>> -> memref<128x64xf32, #tpu.memory_space<vmem>>
      %dma_start3A_151 = arith.constant 0 : i32
      %dma_start3A_152 = tpu.memref_slice %arg4[%add3A_147, %dma_start3A_151] : memref<425984x64xf32, #tpu.memory_space<hbm>> -> memref<128x64xf32, #tpu.memory_space<hbm>>
      %dma_start3A_153 = arith.constant 0 : i32
      %dma_start3A_154 = tpu.memref_slice %arg4[%add3A_147, %dma_start3A_153] : memref<425984x64xf32, #tpu.memory_space<hbm>> -> memref<128x64xf32, #tpu.memory_space<hbm>>
      %dma_start3A_155 = arith.constant 128 : i32
      %dma_start3A_156 = arith.constant 0 : i32
      %dma_start3A_157 = tpu.memref_slice %arg6[%dma_start3A_155, %dma_start3A_156] : memref<1024x64xf32, #tpu.memory_space<vmem>> -> memref<128x64xf32, #tpu.memory_space<vmem>>
      tpu.enqueue_dma source(%dma_start3A_157 : memref<128x64xf32, #tpu.memory_space<vmem>>) target(%dma_start3A_154 : memref<128x64xf32, #tpu.memory_space<hbm>>) target_semaphore(%arg16 : memref<!tpu.dma_semaphore, #tpu.memory_space<semaphore_mem>>)
      %ge3A_158 = arith.constant 3 : i32
      %ge3A_159 = arith.cmpi sge, %add3A_132, %ge3A_158 : i32
      %convert_element_type3A_160 = arith.extui %ge3A_159 : i1 to i32
      %cond3A_161 = arith.constant 0 : i32
      %cond3A_162 = arith.cmpi ne, %convert_element_type3A_160, %cond3A_161 : i32
      scf.if %cond3A_162 {
        %dma_wait3A_404 = arith.constant 768 : i32
        %dma_wait3A_405 = arith.constant 0 : i32
        %dma_wait3A_406 = tpu.memref_slice %arg6[%dma_wait3A_404, %dma_wait3A_405] : memref<1024x64xf32, #tpu.memory_space<vmem>> -> memref<128x64xf32, #tpu.memory_space<vmem>>
        %dma_wait3A_407 = arith.constant 0 : i32
        %dma_wait3A_408 = arith.constant 0 : i32
        %dma_wait3A_409 = tpu.memref_slice %arg2[%dma_wait3A_407, %dma_wait3A_408] : memref<1000000x64xf32, #tpu.memory_space<hbm>> -> memref<128x64xf32, #tpu.memory_space<hbm>>
        %dma_wait3A_410 = arith.constant 768 : i32
        %dma_wait3A_411 = arith.constant 0 : i32
        %dma_wait3A_412 = tpu.memref_slice %arg6[%dma_wait3A_410, %dma_wait3A_411] : memref<1024x64xf32, #tpu.memory_space<vmem>> -> memref<128x64xf32, #tpu.memory_space<vmem>>
        %dma_wait3A_413 = arith.constant 0 : i32
        %dma_wait3A_414 = arith.constant 0 : i32
        %dma_wait3A_415 = tpu.memref_slice %arg2[%dma_wait3A_413, %dma_wait3A_414] : memref<1000000x64xf32, #tpu.memory_space<hbm>> -> memref<128x64xf32, #tpu.memory_space<hbm>>
        tpu.wait_dma2 semaphore(%arg21 : memref<!tpu.dma_semaphore, #tpu.memory_space<semaphore_mem>>) src(%dma_wait3A_415 : memref<128x64xf32, #tpu.memory_space<hbm>>) dst(%dma_wait3A_412 : memref<128x64xf32, #tpu.memory_space<vmem>>)
      } else {
      }
      %add3A_163 = arith.constant 5 : i32
      %add3A_164 = arith.addi %add3A_132, %add3A_163 : i32
      %lt3A_165 = arith.constant 104 : i32
      %lt3A_166 = arith.cmpi slt, %add3A_164, %lt3A_165 : i32
      %convert_element_type3A_167 = arith.extui %lt3A_166 : i1 to i32
      %cond3A_168 = arith.constant 0 : i32
      %cond3A_169 = arith.cmpi ne, %convert_element_type3A_167, %cond3A_168 : i32
      scf.if %cond3A_169 {
        %add3A_404 = arith.constant 5 : i32
        %add3A_405 = arith.addi %add3A_132, %add3A_404 : i32
        %dma_start3A_406 = arith.constant 768 : i32
        %dma_start3A_407 = arith.constant 0 : i32
        %dma_start3A_408 = tpu.memref_slice %arg6[%dma_start3A_406, %dma_start3A_407] : memref<1024x64xf32, #tpu.memory_space<vmem>> -> memref<128x64xf32, #tpu.memory_space<vmem>>
        %dma_start3A_409 = arith.constant 0 : i32
        %dma_start3A_410 = tpu.memref_slice %arg5[%add3A_405, %dma_start3A_409] : memref<104x128xi32, #tpu.memory_space<vmem>> -> memref<1x128xi32, #tpu.memory_space<vmem>>
        %dma_start3A_411 = tpu.memref_squeeze %dma_start3A_410 : memref<1x128xi32, #tpu.memory_space<vmem>> -> memref<128xi32, #tpu.memory_space<vmem>>
        %dma_start3A_412 = arith.constant 0 : i32
        %dma_start3A_413 = arith.constant 0 : i32
        %dma_start3A_414 = tpu.memref_slice %arg2[%dma_start3A_412, %dma_start3A_413] : memref<1000000x64xf32, #tpu.memory_space<hbm>> -> memref<1000000x64xf32, #tpu.memory_space<hbm>>
        tpu.enqueue_indirect_dma source(%dma_start3A_414 : memref<1000000x64xf32, #tpu.memory_space<hbm>>) target(%dma_start3A_408 : memref<128x64xf32, #tpu.memory_space<vmem>>) offsets(%dma_start3A_411 : memref<128xi32, #tpu.memory_space<vmem>>) semaphore(%arg13 : memref<!tpu.dma_semaphore, #tpu.memory_space<semaphore_mem>>)
      } else {
      }
      %add3A_170 = arith.constant 2 : i32
      %add3A_171 = arith.addi %add3A_95, %add3A_170 : i32
      %dma_wait3A_172 = arith.constant 256 : i32
      %dma_wait3A_173 = arith.constant 0 : i32
      %dma_wait3A_174 = tpu.memref_slice %arg6[%dma_wait3A_172, %dma_wait3A_173] : memref<1024x64xf32, #tpu.memory_space<vmem>> -> memref<128x64xf32, #tpu.memory_space<vmem>>
      %dma_wait3A_175 = arith.constant 0 : i32
      %dma_wait3A_176 = arith.constant 0 : i32
      %dma_wait3A_177 = tpu.memref_slice %arg2[%dma_wait3A_175, %dma_wait3A_176] : memref<1000000x64xf32, #tpu.memory_space<hbm>> -> memref<128x64xf32, #tpu.memory_space<hbm>>
      %dma_wait3A_178 = arith.constant 256 : i32
      %dma_wait3A_179 = arith.constant 0 : i32
      %dma_wait3A_180 = tpu.memref_slice %arg6[%dma_wait3A_178, %dma_wait3A_179] : memref<1024x64xf32, #tpu.memory_space<vmem>> -> memref<128x64xf32, #tpu.memory_space<vmem>>
      %dma_wait3A_181 = arith.constant 0 : i32
      %dma_wait3A_182 = arith.constant 0 : i32
      %dma_wait3A_183 = tpu.memref_slice %arg2[%dma_wait3A_181, %dma_wait3A_182] : memref<1000000x64xf32, #tpu.memory_space<hbm>> -> memref<128x64xf32, #tpu.memory_space<hbm>>
      tpu.wait_dma2 semaphore(%arg9 : memref<!tpu.dma_semaphore, #tpu.memory_space<semaphore_mem>>) src(%dma_wait3A_183 : memref<128x64xf32, #tpu.memory_space<hbm>>) dst(%dma_wait3A_180 : memref<128x64xf32, #tpu.memory_space<vmem>>)
      %mul3A_184 = arith.constant 128 : i32
      %mul3A_185 = arith.muli %add3A_171, %mul3A_184 : i32
      %add3A_186 = arith.addi %mul3A_2, %mul3A_185 : i32
      %dma_start3A_187 = arith.constant 256 : i32
      %dma_start3A_188 = arith.constant 0 : i32
      %dma_start3A_189 = tpu.memref_slice %arg6[%dma_start3A_187, %dma_start3A_188] : memref<1024x64xf32, #tpu.memory_space<vmem>> -> memref<128x64xf32, #tpu.memory_space<vmem>>
      %dma_start3A_190 = arith.constant 0 : i32
      %dma_start3A_191 = tpu.memref_slice %arg4[%add3A_186, %dma_start3A_190] : memref<425984x64xf32, #tpu.memory_space<hbm>> -> memref<128x64xf32, #tpu.memory_space<hbm>>
      %dma_start3A_192 = arith.constant 0 : i32
      %dma_start3A_193 = tpu.memref_slice %arg4[%add3A_186, %dma_start3A_192] : memref<425984x64xf32, #tpu.memory_space<hbm>> -> memref<128x64xf32, #tpu.memory_space<hbm>>
      %dma_start3A_194 = arith.constant 256 : i32
      %dma_start3A_195 = arith.constant 0 : i32
      %dma_start3A_196 = tpu.memref_slice %arg6[%dma_start3A_194, %dma_start3A_195] : memref<1024x64xf32, #tpu.memory_space<vmem>> -> memref<128x64xf32, #tpu.memory_space<vmem>>
      tpu.enqueue_dma source(%dma_start3A_196 : memref<128x64xf32, #tpu.memory_space<vmem>>) target(%dma_start3A_193 : memref<128x64xf32, #tpu.memory_space<hbm>>) target_semaphore(%arg17 : memref<!tpu.dma_semaphore, #tpu.memory_space<semaphore_mem>>)
      %ge3A_197 = arith.constant 3 : i32
      %ge3A_198 = arith.cmpi sge, %add3A_171, %ge3A_197 : i32
      %convert_element_type3A_199 = arith.extui %ge3A_198 : i1 to i32
      %cond3A_200 = arith.constant 0 : i32
      %cond3A_201 = arith.cmpi ne, %convert_element_type3A_199, %cond3A_200 : i32
      scf.if %cond3A_201 {
        %dma_wait3A_404 = arith.constant 896 : i32
        %dma_wait3A_405 = arith.constant 0 : i32
        %dma_wait3A_406 = tpu.memref_slice %arg6[%dma_wait3A_404, %dma_wait3A_405] : memref<1024x64xf32, #tpu.memory_space<vmem>> -> memref<128x64xf32, #tpu.memory_space<vmem>>
        %dma_wait3A_407 = arith.constant 0 : i32
        %dma_wait3A_408 = arith.constant 0 : i32
        %dma_wait3A_409 = tpu.memref_slice %arg2[%dma_wait3A_407, %dma_wait3A_408] : memref<1000000x64xf32, #tpu.memory_space<hbm>> -> memref<128x64xf32, #tpu.memory_space<hbm>>
        %dma_wait3A_410 = arith.constant 896 : i32
        %dma_wait3A_411 = arith.constant 0 : i32
        %dma_wait3A_412 = tpu.memref_slice %arg6[%dma_wait3A_410, %dma_wait3A_411] : memref<1024x64xf32, #tpu.memory_space<vmem>> -> memref<128x64xf32, #tpu.memory_space<vmem>>
        %dma_wait3A_413 = arith.constant 0 : i32
        %dma_wait3A_414 = arith.constant 0 : i32
        %dma_wait3A_415 = tpu.memref_slice %arg2[%dma_wait3A_413, %dma_wait3A_414] : memref<1000000x64xf32, #tpu.memory_space<hbm>> -> memref<128x64xf32, #tpu.memory_space<hbm>>
        tpu.wait_dma2 semaphore(%arg22 : memref<!tpu.dma_semaphore, #tpu.memory_space<semaphore_mem>>) src(%dma_wait3A_415 : memref<128x64xf32, #tpu.memory_space<hbm>>) dst(%dma_wait3A_412 : memref<128x64xf32, #tpu.memory_space<vmem>>)
      } else {
      }
      %add3A_202 = arith.constant 5 : i32
      %add3A_203 = arith.addi %add3A_171, %add3A_202 : i32
      %lt3A_204 = arith.constant 104 : i32
      %lt3A_205 = arith.cmpi slt, %add3A_203, %lt3A_204 : i32
      %convert_element_type3A_206 = arith.extui %lt3A_205 : i1 to i32
      %cond3A_207 = arith.constant 0 : i32
      %cond3A_208 = arith.cmpi ne, %convert_element_type3A_206, %cond3A_207 : i32
      scf.if %cond3A_208 {
        %add3A_404 = arith.constant 5 : i32
        %add3A_405 = arith.addi %add3A_171, %add3A_404 : i32
        %dma_start3A_406 = arith.constant 896 : i32
        %dma_start3A_407 = arith.constant 0 : i32
        %dma_start3A_408 = tpu.memref_slice %arg6[%dma_start3A_406, %dma_start3A_407] : memref<1024x64xf32, #tpu.memory_space<vmem>> -> memref<128x64xf32, #tpu.memory_space<vmem>>
        %dma_start3A_409 = arith.constant 0 : i32
        %dma_start3A_410 = tpu.memref_slice %arg5[%add3A_405, %dma_start3A_409] : memref<104x128xi32, #tpu.memory_space<vmem>> -> memref<1x128xi32, #tpu.memory_space<vmem>>
        %dma_start3A_411 = tpu.memref_squeeze %dma_start3A_410 : memref<1x128xi32, #tpu.memory_space<vmem>> -> memref<128xi32, #tpu.memory_space<vmem>>
        %dma_start3A_412 = arith.constant 0 : i32
        %dma_start3A_413 = arith.constant 0 : i32
        %dma_start3A_414 = tpu.memref_slice %arg2[%dma_start3A_412, %dma_start3A_413] : memref<1000000x64xf32, #tpu.memory_space<hbm>> -> memref<1000000x64xf32, #tpu.memory_space<hbm>>
        tpu.enqueue_indirect_dma source(%dma_start3A_414 : memref<1000000x64xf32, #tpu.memory_space<hbm>>) target(%dma_start3A_408 : memref<128x64xf32, #tpu.memory_space<vmem>>) offsets(%dma_start3A_411 : memref<128xi32, #tpu.memory_space<vmem>>) semaphore(%arg14 : memref<!tpu.dma_semaphore, #tpu.memory_space<semaphore_mem>>)
      } else {
      }
      %add3A_209 = arith.constant 3 : i32
      %add3A_210 = arith.addi %add3A_95, %add3A_209 : i32
      %dma_wait3A_211 = arith.constant 384 : i32
      %dma_wait3A_212 = arith.constant 0 : i32
      %dma_wait3A_213 = tpu.memref_slice %arg6[%dma_wait3A_211, %dma_wait3A_212] : memref<1024x64xf32, #tpu.memory_space<vmem>> -> memref<128x64xf32, #tpu.memory_space<vmem>>
      %dma_wait3A_214 = arith.constant 0 : i32
      %dma_wait3A_215 = arith.constant 0 : i32
      %dma_wait3A_216 = tpu.memref_slice %arg2[%dma_wait3A_214, %dma_wait3A_215] : memref<1000000x64xf32, #tpu.memory_space<hbm>> -> memref<128x64xf32, #tpu.memory_space<hbm>>
      %dma_wait3A_217 = arith.constant 384 : i32
      %dma_wait3A_218 = arith.constant 0 : i32
      %dma_wait3A_219 = tpu.memref_slice %arg6[%dma_wait3A_217, %dma_wait3A_218] : memref<1024x64xf32, #tpu.memory_space<vmem>> -> memref<128x64xf32, #tpu.memory_space<vmem>>
      %dma_wait3A_220 = arith.constant 0 : i32
      %dma_wait3A_221 = arith.constant 0 : i32
      %dma_wait3A_222 = tpu.memref_slice %arg2[%dma_wait3A_220, %dma_wait3A_221] : memref<1000000x64xf32, #tpu.memory_space<hbm>> -> memref<128x64xf32, #tpu.memory_space<hbm>>
      tpu.wait_dma2 semaphore(%arg10 : memref<!tpu.dma_semaphore, #tpu.memory_space<semaphore_mem>>) src(%dma_wait3A_222 : memref<128x64xf32, #tpu.memory_space<hbm>>) dst(%dma_wait3A_219 : memref<128x64xf32, #tpu.memory_space<vmem>>)
      %mul3A_223 = arith.constant 128 : i32
      %mul3A_224 = arith.muli %add3A_210, %mul3A_223 : i32
      %add3A_225 = arith.addi %mul3A_2, %mul3A_224 : i32
      %dma_start3A_226 = arith.constant 384 : i32
      %dma_start3A_227 = arith.constant 0 : i32
      %dma_start3A_228 = tpu.memref_slice %arg6[%dma_start3A_226, %dma_start3A_227] : memref<1024x64xf32, #tpu.memory_space<vmem>> -> memref<128x64xf32, #tpu.memory_space<vmem>>
      %dma_start3A_229 = arith.constant 0 : i32
      %dma_start3A_230 = tpu.memref_slice %arg4[%add3A_225, %dma_start3A_229] : memref<425984x64xf32, #tpu.memory_space<hbm>> -> memref<128x64xf32, #tpu.memory_space<hbm>>
      %dma_start3A_231 = arith.constant 0 : i32
      %dma_start3A_232 = tpu.memref_slice %arg4[%add3A_225, %dma_start3A_231] : memref<425984x64xf32, #tpu.memory_space<hbm>> -> memref<128x64xf32, #tpu.memory_space<hbm>>
      %dma_start3A_233 = arith.constant 384 : i32
      %dma_start3A_234 = arith.constant 0 : i32
      %dma_start3A_235 = tpu.memref_slice %arg6[%dma_start3A_233, %dma_start3A_234] : memref<1024x64xf32, #tpu.memory_space<vmem>> -> memref<128x64xf32, #tpu.memory_space<vmem>>
      tpu.enqueue_dma source(%dma_start3A_235 : memref<128x64xf32, #tpu.memory_space<vmem>>) target(%dma_start3A_232 : memref<128x64xf32, #tpu.memory_space<hbm>>) target_semaphore(%arg18 : memref<!tpu.dma_semaphore, #tpu.memory_space<semaphore_mem>>)
      %ge3A_236 = arith.constant 3 : i32
      %ge3A_237 = arith.cmpi sge, %add3A_210, %ge3A_236 : i32
      %convert_element_type3A_238 = arith.extui %ge3A_237 : i1 to i32
      %cond3A_239 = arith.constant 0 : i32
      %cond3A_240 = arith.cmpi ne, %convert_element_type3A_238, %cond3A_239 : i32
      scf.if %cond3A_240 {
        %dma_wait3A_404 = arith.constant 0 : i32
        %dma_wait3A_405 = arith.constant 0 : i32
        %dma_wait3A_406 = tpu.memref_slice %arg6[%dma_wait3A_404, %dma_wait3A_405] : memref<1024x64xf32, #tpu.memory_space<vmem>> -> memref<128x64xf32, #tpu.memory_space<vmem>>
        %dma_wait3A_407 = arith.constant 0 : i32
        %dma_wait3A_408 = arith.constant 0 : i32
        %dma_wait3A_409 = tpu.memref_slice %arg2[%dma_wait3A_407, %dma_wait3A_408] : memref<1000000x64xf32, #tpu.memory_space<hbm>> -> memref<128x64xf32, #tpu.memory_space<hbm>>
        %dma_wait3A_410 = arith.constant 0 : i32
        %dma_wait3A_411 = arith.constant 0 : i32
        %dma_wait3A_412 = tpu.memref_slice %arg6[%dma_wait3A_410, %dma_wait3A_411] : memref<1024x64xf32, #tpu.memory_space<vmem>> -> memref<128x64xf32, #tpu.memory_space<vmem>>
        %dma_wait3A_413 = arith.constant 0 : i32
        %dma_wait3A_414 = arith.constant 0 : i32
        %dma_wait3A_415 = tpu.memref_slice %arg2[%dma_wait3A_413, %dma_wait3A_414] : memref<1000000x64xf32, #tpu.memory_space<hbm>> -> memref<128x64xf32, #tpu.memory_space<hbm>>
        tpu.wait_dma2 semaphore(%arg15 : memref<!tpu.dma_semaphore, #tpu.memory_space<semaphore_mem>>) src(%dma_wait3A_415 : memref<128x64xf32, #tpu.memory_space<hbm>>) dst(%dma_wait3A_412 : memref<128x64xf32, #tpu.memory_space<vmem>>)
      } else {
      }
      %add3A_241 = arith.constant 5 : i32
      %add3A_242 = arith.addi %add3A_210, %add3A_241 : i32
      %lt3A_243 = arith.constant 104 : i32
      %lt3A_244 = arith.cmpi slt, %add3A_242, %lt3A_243 : i32
      %convert_element_type3A_245 = arith.extui %lt3A_244 : i1 to i32
      %cond3A_246 = arith.constant 0 : i32
      %cond3A_247 = arith.cmpi ne, %convert_element_type3A_245, %cond3A_246 : i32
      scf.if %cond3A_247 {
        %add3A_404 = arith.constant 5 : i32
        %add3A_405 = arith.addi %add3A_210, %add3A_404 : i32
        %dma_start3A_406 = arith.constant 0 : i32
        %dma_start3A_407 = arith.constant 0 : i32
        %dma_start3A_408 = tpu.memref_slice %arg6[%dma_start3A_406, %dma_start3A_407] : memref<1024x64xf32, #tpu.memory_space<vmem>> -> memref<128x64xf32, #tpu.memory_space<vmem>>
        %dma_start3A_409 = arith.constant 0 : i32
        %dma_start3A_410 = tpu.memref_slice %arg5[%add3A_405, %dma_start3A_409] : memref<104x128xi32, #tpu.memory_space<vmem>> -> memref<1x128xi32, #tpu.memory_space<vmem>>
        %dma_start3A_411 = tpu.memref_squeeze %dma_start3A_410 : memref<1x128xi32, #tpu.memory_space<vmem>> -> memref<128xi32, #tpu.memory_space<vmem>>
        %dma_start3A_412 = arith.constant 0 : i32
        %dma_start3A_413 = arith.constant 0 : i32
        %dma_start3A_414 = tpu.memref_slice %arg2[%dma_start3A_412, %dma_start3A_413] : memref<1000000x64xf32, #tpu.memory_space<hbm>> -> memref<1000000x64xf32, #tpu.memory_space<hbm>>
        tpu.enqueue_indirect_dma source(%dma_start3A_414 : memref<1000000x64xf32, #tpu.memory_space<hbm>>) target(%dma_start3A_408 : memref<128x64xf32, #tpu.memory_space<vmem>>) offsets(%dma_start3A_411 : memref<128xi32, #tpu.memory_space<vmem>>) semaphore(%arg7 : memref<!tpu.dma_semaphore, #tpu.memory_space<semaphore_mem>>)
      } else {
      }
      %add3A_248 = arith.constant 4 : i32
      %add3A_249 = arith.addi %add3A_95, %add3A_248 : i32
      %dma_wait3A_250 = arith.constant 512 : i32
      %dma_wait3A_251 = arith.constant 0 : i32
      %dma_wait3A_252 = tpu.memref_slice %arg6[%dma_wait3A_250, %dma_wait3A_251] : memref<1024x64xf32, #tpu.memory_space<vmem>> -> memref<128x64xf32, #tpu.memory_space<vmem>>
      %dma_wait3A_253 = arith.constant 0 : i32
      %dma_wait3A_254 = arith.constant 0 : i32
      %dma_wait3A_255 = tpu.memref_slice %arg2[%dma_wait3A_253, %dma_wait3A_254] : memref<1000000x64xf32, #tpu.memory_space<hbm>> -> memref<128x64xf32, #tpu.memory_space<hbm>>
      %dma_wait3A_256 = arith.constant 512 : i32
      %dma_wait3A_257 = arith.constant 0 : i32
      %dma_wait3A_258 = tpu.memref_slice %arg6[%dma_wait3A_256, %dma_wait3A_257] : memref<1024x64xf32, #tpu.memory_space<vmem>> -> memref<128x64xf32, #tpu.memory_space<vmem>>
      %dma_wait3A_259 = arith.constant 0 : i32
      %dma_wait3A_260 = arith.constant 0 : i32
      %dma_wait3A_261 = tpu.memref_slice %arg2[%dma_wait3A_259, %dma_wait3A_260] : memref<1000000x64xf32, #tpu.memory_space<hbm>> -> memref<128x64xf32, #tpu.memory_space<hbm>>
      tpu.wait_dma2 semaphore(%arg11 : memref<!tpu.dma_semaphore, #tpu.memory_space<semaphore_mem>>) src(%dma_wait3A_261 : memref<128x64xf32, #tpu.memory_space<hbm>>) dst(%dma_wait3A_258 : memref<128x64xf32, #tpu.memory_space<vmem>>)
      %mul3A_262 = arith.constant 128 : i32
      %mul3A_263 = arith.muli %add3A_249, %mul3A_262 : i32
      %add3A_264 = arith.addi %mul3A_2, %mul3A_263 : i32
      %dma_start3A_265 = arith.constant 512 : i32
      %dma_start3A_266 = arith.constant 0 : i32
      %dma_start3A_267 = tpu.memref_slice %arg6[%dma_start3A_265, %dma_start3A_266] : memref<1024x64xf32, #tpu.memory_space<vmem>> -> memref<128x64xf32, #tpu.memory_space<vmem>>
      %dma_start3A_268 = arith.constant 0 : i32
      %dma_start3A_269 = tpu.memref_slice %arg4[%add3A_264, %dma_start3A_268] : memref<425984x64xf32, #tpu.memory_space<hbm>> -> memref<128x64xf32, #tpu.memory_space<hbm>>
      %dma_start3A_270 = arith.constant 0 : i32
      %dma_start3A_271 = tpu.memref_slice %arg4[%add3A_264, %dma_start3A_270] : memref<425984x64xf32, #tpu.memory_space<hbm>> -> memref<128x64xf32, #tpu.memory_space<hbm>>
      %dma_start3A_272 = arith.constant 512 : i32
      %dma_start3A_273 = arith.constant 0 : i32
      %dma_start3A_274 = tpu.memref_slice %arg6[%dma_start3A_272, %dma_start3A_273] : memref<1024x64xf32, #tpu.memory_space<vmem>> -> memref<128x64xf32, #tpu.memory_space<vmem>>
      tpu.enqueue_dma source(%dma_start3A_274 : memref<128x64xf32, #tpu.memory_space<vmem>>) target(%dma_start3A_271 : memref<128x64xf32, #tpu.memory_space<hbm>>) target_semaphore(%arg19 : memref<!tpu.dma_semaphore, #tpu.memory_space<semaphore_mem>>)
      %ge3A_275 = arith.constant 3 : i32
      %ge3A_276 = arith.cmpi sge, %add3A_249, %ge3A_275 : i32
      %convert_element_type3A_277 = arith.extui %ge3A_276 : i1 to i32
      %cond3A_278 = arith.constant 0 : i32
      %cond3A_279 = arith.cmpi ne, %convert_element_type3A_277, %cond3A_278 : i32
      scf.if %cond3A_279 {
        %dma_wait3A_404 = arith.constant 128 : i32
        %dma_wait3A_405 = arith.constant 0 : i32
        %dma_wait3A_406 = tpu.memref_slice %arg6[%dma_wait3A_404, %dma_wait3A_405] : memref<1024x64xf32, #tpu.memory_space<vmem>> -> memref<128x64xf32, #tpu.memory_space<vmem>>
        %dma_wait3A_407 = arith.constant 0 : i32
        %dma_wait3A_408 = arith.constant 0 : i32
        %dma_wait3A_409 = tpu.memref_slice %arg2[%dma_wait3A_407, %dma_wait3A_408] : memref<1000000x64xf32, #tpu.memory_space<hbm>> -> memref<128x64xf32, #tpu.memory_space<hbm>>
        %dma_wait3A_410 = arith.constant 128 : i32
        %dma_wait3A_411 = arith.constant 0 : i32
        %dma_wait3A_412 = tpu.memref_slice %arg6[%dma_wait3A_410, %dma_wait3A_411] : memref<1024x64xf32, #tpu.memory_space<vmem>> -> memref<128x64xf32, #tpu.memory_space<vmem>>
        %dma_wait3A_413 = arith.constant 0 : i32
        %dma_wait3A_414 = arith.constant 0 : i32
        %dma_wait3A_415 = tpu.memref_slice %arg2[%dma_wait3A_413, %dma_wait3A_414] : memref<1000000x64xf32, #tpu.memory_space<hbm>> -> memref<128x64xf32, #tpu.memory_space<hbm>>
        tpu.wait_dma2 semaphore(%arg16 : memref<!tpu.dma_semaphore, #tpu.memory_space<semaphore_mem>>) src(%dma_wait3A_415 : memref<128x64xf32, #tpu.memory_space<hbm>>) dst(%dma_wait3A_412 : memref<128x64xf32, #tpu.memory_space<vmem>>)
      } else {
      }
      %add3A_280 = arith.constant 5 : i32
      %add3A_281 = arith.addi %add3A_249, %add3A_280 : i32
      %lt3A_282 = arith.constant 104 : i32
      %lt3A_283 = arith.cmpi slt, %add3A_281, %lt3A_282 : i32
      %convert_element_type3A_284 = arith.extui %lt3A_283 : i1 to i32
      %cond3A_285 = arith.constant 0 : i32
      %cond3A_286 = arith.cmpi ne, %convert_element_type3A_284, %cond3A_285 : i32
      scf.if %cond3A_286 {
        %add3A_404 = arith.constant 5 : i32
        %add3A_405 = arith.addi %add3A_249, %add3A_404 : i32
        %dma_start3A_406 = arith.constant 128 : i32
        %dma_start3A_407 = arith.constant 0 : i32
        %dma_start3A_408 = tpu.memref_slice %arg6[%dma_start3A_406, %dma_start3A_407] : memref<1024x64xf32, #tpu.memory_space<vmem>> -> memref<128x64xf32, #tpu.memory_space<vmem>>
        %dma_start3A_409 = arith.constant 0 : i32
        %dma_start3A_410 = tpu.memref_slice %arg5[%add3A_405, %dma_start3A_409] : memref<104x128xi32, #tpu.memory_space<vmem>> -> memref<1x128xi32, #tpu.memory_space<vmem>>
        %dma_start3A_411 = tpu.memref_squeeze %dma_start3A_410 : memref<1x128xi32, #tpu.memory_space<vmem>> -> memref<128xi32, #tpu.memory_space<vmem>>
        %dma_start3A_412 = arith.constant 0 : i32
        %dma_start3A_413 = arith.constant 0 : i32
        %dma_start3A_414 = tpu.memref_slice %arg2[%dma_start3A_412, %dma_start3A_413] : memref<1000000x64xf32, #tpu.memory_space<hbm>> -> memref<1000000x64xf32, #tpu.memory_space<hbm>>
        tpu.enqueue_indirect_dma source(%dma_start3A_414 : memref<1000000x64xf32, #tpu.memory_space<hbm>>) target(%dma_start3A_408 : memref<128x64xf32, #tpu.memory_space<vmem>>) offsets(%dma_start3A_411 : memref<128xi32, #tpu.memory_space<vmem>>) semaphore(%arg8 : memref<!tpu.dma_semaphore, #tpu.memory_space<semaphore_mem>>)
      } else {
      }
      %add3A_287 = arith.constant 5 : i32
      %add3A_288 = arith.addi %add3A_95, %add3A_287 : i32
      %dma_wait3A_289 = arith.constant 640 : i32
      %dma_wait3A_290 = arith.constant 0 : i32
      %dma_wait3A_291 = tpu.memref_slice %arg6[%dma_wait3A_289, %dma_wait3A_290] : memref<1024x64xf32, #tpu.memory_space<vmem>> -> memref<128x64xf32, #tpu.memory_space<vmem>>
      %dma_wait3A_292 = arith.constant 0 : i32
      %dma_wait3A_293 = arith.constant 0 : i32
      %dma_wait3A_294 = tpu.memref_slice %arg2[%dma_wait3A_292, %dma_wait3A_293] : memref<1000000x64xf32, #tpu.memory_space<hbm>> -> memref<128x64xf32, #tpu.memory_space<hbm>>
      %dma_wait3A_295 = arith.constant 640 : i32
      %dma_wait3A_296 = arith.constant 0 : i32
      %dma_wait3A_297 = tpu.memref_slice %arg6[%dma_wait3A_295, %dma_wait3A_296] : memref<1024x64xf32, #tpu.memory_space<vmem>> -> memref<128x64xf32, #tpu.memory_space<vmem>>
      %dma_wait3A_298 = arith.constant 0 : i32
      %dma_wait3A_299 = arith.constant 0 : i32
      %dma_wait3A_300 = tpu.memref_slice %arg2[%dma_wait3A_298, %dma_wait3A_299] : memref<1000000x64xf32, #tpu.memory_space<hbm>> -> memref<128x64xf32, #tpu.memory_space<hbm>>
      tpu.wait_dma2 semaphore(%arg12 : memref<!tpu.dma_semaphore, #tpu.memory_space<semaphore_mem>>) src(%dma_wait3A_300 : memref<128x64xf32, #tpu.memory_space<hbm>>) dst(%dma_wait3A_297 : memref<128x64xf32, #tpu.memory_space<vmem>>)
      %mul3A_301 = arith.constant 128 : i32
      %mul3A_302 = arith.muli %add3A_288, %mul3A_301 : i32
      %add3A_303 = arith.addi %mul3A_2, %mul3A_302 : i32
      %dma_start3A_304 = arith.constant 640 : i32
      %dma_start3A_305 = arith.constant 0 : i32
      %dma_start3A_306 = tpu.memref_slice %arg6[%dma_start3A_304, %dma_start3A_305] : memref<1024x64xf32, #tpu.memory_space<vmem>> -> memref<128x64xf32, #tpu.memory_space<vmem>>
      %dma_start3A_307 = arith.constant 0 : i32
      %dma_start3A_308 = tpu.memref_slice %arg4[%add3A_303, %dma_start3A_307] : memref<425984x64xf32, #tpu.memory_space<hbm>> -> memref<128x64xf32, #tpu.memory_space<hbm>>
      %dma_start3A_309 = arith.constant 0 : i32
      %dma_start3A_310 = tpu.memref_slice %arg4[%add3A_303, %dma_start3A_309] : memref<425984x64xf32, #tpu.memory_space<hbm>> -> memref<128x64xf32, #tpu.memory_space<hbm>>
      %dma_start3A_311 = arith.constant 640 : i32
      %dma_start3A_312 = arith.constant 0 : i32
      %dma_start3A_313 = tpu.memref_slice %arg6[%dma_start3A_311, %dma_start3A_312] : memref<1024x64xf32, #tpu.memory_space<vmem>> -> memref<128x64xf32, #tpu.memory_space<vmem>>
      tpu.enqueue_dma source(%dma_start3A_313 : memref<128x64xf32, #tpu.memory_space<vmem>>) target(%dma_start3A_310 : memref<128x64xf32, #tpu.memory_space<hbm>>) target_semaphore(%arg20 : memref<!tpu.dma_semaphore, #tpu.memory_space<semaphore_mem>>)
      %ge3A_314 = arith.constant 3 : i32
      %ge3A_315 = arith.cmpi sge, %add3A_288, %ge3A_314 : i32
      %convert_element_type3A_316 = arith.extui %ge3A_315 : i1 to i32
      %cond3A_317 = arith.constant 0 : i32
      %cond3A_318 = arith.cmpi ne, %convert_element_type3A_316, %cond3A_317 : i32
      scf.if %cond3A_318 {
        %dma_wait3A_404 = arith.constant 256 : i32
        %dma_wait3A_405 = arith.constant 0 : i32
        %dma_wait3A_406 = tpu.memref_slice %arg6[%dma_wait3A_404, %dma_wait3A_405] : memref<1024x64xf32, #tpu.memory_space<vmem>> -> memref<128x64xf32, #tpu.memory_space<vmem>>
        %dma_wait3A_407 = arith.constant 0 : i32
        %dma_wait3A_408 = arith.constant 0 : i32
        %dma_wait3A_409 = tpu.memref_slice %arg2[%dma_wait3A_407, %dma_wait3A_408] : memref<1000000x64xf32, #tpu.memory_space<hbm>> -> memref<128x64xf32, #tpu.memory_space<hbm>>
        %dma_wait3A_410 = arith.constant 256 : i32
        %dma_wait3A_411 = arith.constant 0 : i32
        %dma_wait3A_412 = tpu.memref_slice %arg6[%dma_wait3A_410, %dma_wait3A_411] : memref<1024x64xf32, #tpu.memory_space<vmem>> -> memref<128x64xf32, #tpu.memory_space<vmem>>
        %dma_wait3A_413 = arith.constant 0 : i32
        %dma_wait3A_414 = arith.constant 0 : i32
        %dma_wait3A_415 = tpu.memref_slice %arg2[%dma_wait3A_413, %dma_wait3A_414] : memref<1000000x64xf32, #tpu.memory_space<hbm>> -> memref<128x64xf32, #tpu.memory_space<hbm>>
        tpu.wait_dma2 semaphore(%arg17 : memref<!tpu.dma_semaphore, #tpu.memory_space<semaphore_mem>>) src(%dma_wait3A_415 : memref<128x64xf32, #tpu.memory_space<hbm>>) dst(%dma_wait3A_412 : memref<128x64xf32, #tpu.memory_space<vmem>>)
      } else {
      }
      %add3A_319 = arith.constant 5 : i32
      %add3A_320 = arith.addi %add3A_288, %add3A_319 : i32
      %lt3A_321 = arith.constant 104 : i32
      %lt3A_322 = arith.cmpi slt, %add3A_320, %lt3A_321 : i32
      %convert_element_type3A_323 = arith.extui %lt3A_322 : i1 to i32
      %cond3A_324 = arith.constant 0 : i32
      %cond3A_325 = arith.cmpi ne, %convert_element_type3A_323, %cond3A_324 : i32
      scf.if %cond3A_325 {
        %add3A_404 = arith.constant 5 : i32
        %add3A_405 = arith.addi %add3A_288, %add3A_404 : i32
        %dma_start3A_406 = arith.constant 256 : i32
        %dma_start3A_407 = arith.constant 0 : i32
        %dma_start3A_408 = tpu.memref_slice %arg6[%dma_start3A_406, %dma_start3A_407] : memref<1024x64xf32, #tpu.memory_space<vmem>> -> memref<128x64xf32, #tpu.memory_space<vmem>>
        %dma_start3A_409 = arith.constant 0 : i32
        %dma_start3A_410 = tpu.memref_slice %arg5[%add3A_405, %dma_start3A_409] : memref<104x128xi32, #tpu.memory_space<vmem>> -> memref<1x128xi32, #tpu.memory_space<vmem>>
        %dma_start3A_411 = tpu.memref_squeeze %dma_start3A_410 : memref<1x128xi32, #tpu.memory_space<vmem>> -> memref<128xi32, #tpu.memory_space<vmem>>
        %dma_start3A_412 = arith.constant 0 : i32
        %dma_start3A_413 = arith.constant 0 : i32
        %dma_start3A_414 = tpu.memref_slice %arg2[%dma_start3A_412, %dma_start3A_413] : memref<1000000x64xf32, #tpu.memory_space<hbm>> -> memref<1000000x64xf32, #tpu.memory_space<hbm>>
        tpu.enqueue_indirect_dma source(%dma_start3A_414 : memref<1000000x64xf32, #tpu.memory_space<hbm>>) target(%dma_start3A_408 : memref<128x64xf32, #tpu.memory_space<vmem>>) offsets(%dma_start3A_411 : memref<128xi32, #tpu.memory_space<vmem>>) semaphore(%arg9 : memref<!tpu.dma_semaphore, #tpu.memory_space<semaphore_mem>>)
      } else {
      }
      %add3A_326 = arith.constant 6 : i32
      %add3A_327 = arith.addi %add3A_95, %add3A_326 : i32
      %dma_wait3A_328 = arith.constant 768 : i32
      %dma_wait3A_329 = arith.constant 0 : i32
      %dma_wait3A_330 = tpu.memref_slice %arg6[%dma_wait3A_328, %dma_wait3A_329] : memref<1024x64xf32, #tpu.memory_space<vmem>> -> memref<128x64xf32, #tpu.memory_space<vmem>>
      %dma_wait3A_331 = arith.constant 0 : i32
      %dma_wait3A_332 = arith.constant 0 : i32
      %dma_wait3A_333 = tpu.memref_slice %arg2[%dma_wait3A_331, %dma_wait3A_332] : memref<1000000x64xf32, #tpu.memory_space<hbm>> -> memref<128x64xf32, #tpu.memory_space<hbm>>
      %dma_wait3A_334 = arith.constant 768 : i32
      %dma_wait3A_335 = arith.constant 0 : i32
      %dma_wait3A_336 = tpu.memref_slice %arg6[%dma_wait3A_334, %dma_wait3A_335] : memref<1024x64xf32, #tpu.memory_space<vmem>> -> memref<128x64xf32, #tpu.memory_space<vmem>>
      %dma_wait3A_337 = arith.constant 0 : i32
      %dma_wait3A_338 = arith.constant 0 : i32
      %dma_wait3A_339 = tpu.memref_slice %arg2[%dma_wait3A_337, %dma_wait3A_338] : memref<1000000x64xf32, #tpu.memory_space<hbm>> -> memref<128x64xf32, #tpu.memory_space<hbm>>
      tpu.wait_dma2 semaphore(%arg13 : memref<!tpu.dma_semaphore, #tpu.memory_space<semaphore_mem>>) src(%dma_wait3A_339 : memref<128x64xf32, #tpu.memory_space<hbm>>) dst(%dma_wait3A_336 : memref<128x64xf32, #tpu.memory_space<vmem>>)
      %mul3A_340 = arith.constant 128 : i32
      %mul3A_341 = arith.muli %add3A_327, %mul3A_340 : i32
      %add3A_342 = arith.addi %mul3A_2, %mul3A_341 : i32
      %dma_start3A_343 = arith.constant 768 : i32
      %dma_start3A_344 = arith.constant 0 : i32
      %dma_start3A_345 = tpu.memref_slice %arg6[%dma_start3A_343, %dma_start3A_344] : memref<1024x64xf32, #tpu.memory_space<vmem>> -> memref<128x64xf32, #tpu.memory_space<vmem>>
      %dma_start3A_346 = arith.constant 0 : i32
      %dma_start3A_347 = tpu.memref_slice %arg4[%add3A_342, %dma_start3A_346] : memref<425984x64xf32, #tpu.memory_space<hbm>> -> memref<128x64xf32, #tpu.memory_space<hbm>>
      %dma_start3A_348 = arith.constant 0 : i32
      %dma_start3A_349 = tpu.memref_slice %arg4[%add3A_342, %dma_start3A_348] : memref<425984x64xf32, #tpu.memory_space<hbm>> -> memref<128x64xf32, #tpu.memory_space<hbm>>
      %dma_start3A_350 = arith.constant 768 : i32
      %dma_start3A_351 = arith.constant 0 : i32
      %dma_start3A_352 = tpu.memref_slice %arg6[%dma_start3A_350, %dma_start3A_351] : memref<1024x64xf32, #tpu.memory_space<vmem>> -> memref<128x64xf32, #tpu.memory_space<vmem>>
      tpu.enqueue_dma source(%dma_start3A_352 : memref<128x64xf32, #tpu.memory_space<vmem>>) target(%dma_start3A_349 : memref<128x64xf32, #tpu.memory_space<hbm>>) target_semaphore(%arg21 : memref<!tpu.dma_semaphore, #tpu.memory_space<semaphore_mem>>)
      %ge3A_353 = arith.constant 3 : i32
      %ge3A_354 = arith.cmpi sge, %add3A_327, %ge3A_353 : i32
      %convert_element_type3A_355 = arith.extui %ge3A_354 : i1 to i32
      %cond3A_356 = arith.constant 0 : i32
      %cond3A_357 = arith.cmpi ne, %convert_element_type3A_355, %cond3A_356 : i32
      scf.if %cond3A_357 {
        %dma_wait3A_404 = arith.constant 384 : i32
        %dma_wait3A_405 = arith.constant 0 : i32
        %dma_wait3A_406 = tpu.memref_slice %arg6[%dma_wait3A_404, %dma_wait3A_405] : memref<1024x64xf32, #tpu.memory_space<vmem>> -> memref<128x64xf32, #tpu.memory_space<vmem>>
        %dma_wait3A_407 = arith.constant 0 : i32
        %dma_wait3A_408 = arith.constant 0 : i32
        %dma_wait3A_409 = tpu.memref_slice %arg2[%dma_wait3A_407, %dma_wait3A_408] : memref<1000000x64xf32, #tpu.memory_space<hbm>> -> memref<128x64xf32, #tpu.memory_space<hbm>>
        %dma_wait3A_410 = arith.constant 384 : i32
        %dma_wait3A_411 = arith.constant 0 : i32
        %dma_wait3A_412 = tpu.memref_slice %arg6[%dma_wait3A_410, %dma_wait3A_411] : memref<1024x64xf32, #tpu.memory_space<vmem>> -> memref<128x64xf32, #tpu.memory_space<vmem>>
        %dma_wait3A_413 = arith.constant 0 : i32
        %dma_wait3A_414 = arith.constant 0 : i32
        %dma_wait3A_415 = tpu.memref_slice %arg2[%dma_wait3A_413, %dma_wait3A_414] : memref<1000000x64xf32, #tpu.memory_space<hbm>> -> memref<128x64xf32, #tpu.memory_space<hbm>>
        tpu.wait_dma2 semaphore(%arg18 : memref<!tpu.dma_semaphore, #tpu.memory_space<semaphore_mem>>) src(%dma_wait3A_415 : memref<128x64xf32, #tpu.memory_space<hbm>>) dst(%dma_wait3A_412 : memref<128x64xf32, #tpu.memory_space<vmem>>)
      } else {
      }
      %add3A_358 = arith.constant 5 : i32
      %add3A_359 = arith.addi %add3A_327, %add3A_358 : i32
      %lt3A_360 = arith.constant 104 : i32
      %lt3A_361 = arith.cmpi slt, %add3A_359, %lt3A_360 : i32
      %convert_element_type3A_362 = arith.extui %lt3A_361 : i1 to i32
      %cond3A_363 = arith.constant 0 : i32
      %cond3A_364 = arith.cmpi ne, %convert_element_type3A_362, %cond3A_363 : i32
      scf.if %cond3A_364 {
        %add3A_404 = arith.constant 5 : i32
        %add3A_405 = arith.addi %add3A_327, %add3A_404 : i32
        %dma_start3A_406 = arith.constant 384 : i32
        %dma_start3A_407 = arith.constant 0 : i32
        %dma_start3A_408 = tpu.memref_slice %arg6[%dma_start3A_406, %dma_start3A_407] : memref<1024x64xf32, #tpu.memory_space<vmem>> -> memref<128x64xf32, #tpu.memory_space<vmem>>
        %dma_start3A_409 = arith.constant 0 : i32
        %dma_start3A_410 = tpu.memref_slice %arg5[%add3A_405, %dma_start3A_409] : memref<104x128xi32, #tpu.memory_space<vmem>> -> memref<1x128xi32, #tpu.memory_space<vmem>>
        %dma_start3A_411 = tpu.memref_squeeze %dma_start3A_410 : memref<1x128xi32, #tpu.memory_space<vmem>> -> memref<128xi32, #tpu.memory_space<vmem>>
        %dma_start3A_412 = arith.constant 0 : i32
        %dma_start3A_413 = arith.constant 0 : i32
        %dma_start3A_414 = tpu.memref_slice %arg2[%dma_start3A_412, %dma_start3A_413] : memref<1000000x64xf32, #tpu.memory_space<hbm>> -> memref<1000000x64xf32, #tpu.memory_space<hbm>>
        tpu.enqueue_indirect_dma source(%dma_start3A_414 : memref<1000000x64xf32, #tpu.memory_space<hbm>>) target(%dma_start3A_408 : memref<128x64xf32, #tpu.memory_space<vmem>>) offsets(%dma_start3A_411 : memref<128xi32, #tpu.memory_space<vmem>>) semaphore(%arg10 : memref<!tpu.dma_semaphore, #tpu.memory_space<semaphore_mem>>)
      } else {
      }
      %add3A_365 = arith.constant 7 : i32
      %add3A_366 = arith.addi %add3A_95, %add3A_365 : i32
      %dma_wait3A_367 = arith.constant 896 : i32
      %dma_wait3A_368 = arith.constant 0 : i32
      %dma_wait3A_369 = tpu.memref_slice %arg6[%dma_wait3A_367, %dma_wait3A_368] : memref<1024x64xf32, #tpu.memory_space<vmem>> -> memref<128x64xf32, #tpu.memory_space<vmem>>
      %dma_wait3A_370 = arith.constant 0 : i32
      %dma_wait3A_371 = arith.constant 0 : i32
      %dma_wait3A_372 = tpu.memref_slice %arg2[%dma_wait3A_370, %dma_wait3A_371] : memref<1000000x64xf32, #tpu.memory_space<hbm>> -> memref<128x64xf32, #tpu.memory_space<hbm>>
      %dma_wait3A_373 = arith.constant 896 : i32
      %dma_wait3A_374 = arith.constant 0 : i32
      %dma_wait3A_375 = tpu.memref_slice %arg6[%dma_wait3A_373, %dma_wait3A_374] : memref<1024x64xf32, #tpu.memory_space<vmem>> -> memref<128x64xf32, #tpu.memory_space<vmem>>
      %dma_wait3A_376 = arith.constant 0 : i32
      %dma_wait3A_377 = arith.constant 0 : i32
      %dma_wait3A_378 = tpu.memref_slice %arg2[%dma_wait3A_376, %dma_wait3A_377] : memref<1000000x64xf32, #tpu.memory_space<hbm>> -> memref<128x64xf32, #tpu.memory_space<hbm>>
      tpu.wait_dma2 semaphore(%arg14 : memref<!tpu.dma_semaphore, #tpu.memory_space<semaphore_mem>>) src(%dma_wait3A_378 : memref<128x64xf32, #tpu.memory_space<hbm>>) dst(%dma_wait3A_375 : memref<128x64xf32, #tpu.memory_space<vmem>>)
      %mul3A_379 = arith.constant 128 : i32
      %mul3A_380 = arith.muli %add3A_366, %mul3A_379 : i32
      %add3A_381 = arith.addi %mul3A_2, %mul3A_380 : i32
      %dma_start3A_382 = arith.constant 896 : i32
      %dma_start3A_383 = arith.constant 0 : i32
      %dma_start3A_384 = tpu.memref_slice %arg6[%dma_start3A_382, %dma_start3A_383] : memref<1024x64xf32, #tpu.memory_space<vmem>> -> memref<128x64xf32, #tpu.memory_space<vmem>>
      %dma_start3A_385 = arith.constant 0 : i32
      %dma_start3A_386 = tpu.memref_slice %arg4[%add3A_381, %dma_start3A_385] : memref<425984x64xf32, #tpu.memory_space<hbm>> -> memref<128x64xf32, #tpu.memory_space<hbm>>
      %dma_start3A_387 = arith.constant 0 : i32
      %dma_start3A_388 = tpu.memref_slice %arg4[%add3A_381, %dma_start3A_387] : memref<425984x64xf32, #tpu.memory_space<hbm>> -> memref<128x64xf32, #tpu.memory_space<hbm>>
      %dma_start3A_389 = arith.constant 896 : i32
      %dma_start3A_390 = arith.constant 0 : i32
      %dma_start3A_391 = tpu.memref_slice %arg6[%dma_start3A_389, %dma_start3A_390] : memref<1024x64xf32, #tpu.memory_space<vmem>> -> memref<128x64xf32, #tpu.memory_space<vmem>>
      tpu.enqueue_dma source(%dma_start3A_391 : memref<128x64xf32, #tpu.memory_space<vmem>>) target(%dma_start3A_388 : memref<128x64xf32, #tpu.memory_space<hbm>>) target_semaphore(%arg22 : memref<!tpu.dma_semaphore, #tpu.memory_space<semaphore_mem>>)
      %ge3A_392 = arith.constant 3 : i32
      %ge3A_393 = arith.cmpi sge, %add3A_366, %ge3A_392 : i32
      %convert_element_type3A_394 = arith.extui %ge3A_393 : i1 to i32
      %cond3A_395 = arith.constant 0 : i32
      %cond3A_396 = arith.cmpi ne, %convert_element_type3A_394, %cond3A_395 : i32
      scf.if %cond3A_396 {
        %dma_wait3A_404 = arith.constant 512 : i32
        %dma_wait3A_405 = arith.constant 0 : i32
        %dma_wait3A_406 = tpu.memref_slice %arg6[%dma_wait3A_404, %dma_wait3A_405] : memref<1024x64xf32, #tpu.memory_space<vmem>> -> memref<128x64xf32, #tpu.memory_space<vmem>>
        %dma_wait3A_407 = arith.constant 0 : i32
        %dma_wait3A_408 = arith.constant 0 : i32
        %dma_wait3A_409 = tpu.memref_slice %arg2[%dma_wait3A_407, %dma_wait3A_408] : memref<1000000x64xf32, #tpu.memory_space<hbm>> -> memref<128x64xf32, #tpu.memory_space<hbm>>
        %dma_wait3A_410 = arith.constant 512 : i32
        %dma_wait3A_411 = arith.constant 0 : i32
        %dma_wait3A_412 = tpu.memref_slice %arg6[%dma_wait3A_410, %dma_wait3A_411] : memref<1024x64xf32, #tpu.memory_space<vmem>> -> memref<128x64xf32, #tpu.memory_space<vmem>>
        %dma_wait3A_413 = arith.constant 0 : i32
        %dma_wait3A_414 = arith.constant 0 : i32
        %dma_wait3A_415 = tpu.memref_slice %arg2[%dma_wait3A_413, %dma_wait3A_414] : memref<1000000x64xf32, #tpu.memory_space<hbm>> -> memref<128x64xf32, #tpu.memory_space<hbm>>
        tpu.wait_dma2 semaphore(%arg19 : memref<!tpu.dma_semaphore, #tpu.memory_space<semaphore_mem>>) src(%dma_wait3A_415 : memref<128x64xf32, #tpu.memory_space<hbm>>) dst(%dma_wait3A_412 : memref<128x64xf32, #tpu.memory_space<vmem>>)
      } else {
      }
      %add3A_397 = arith.constant 5 : i32
      %add3A_398 = arith.addi %add3A_366, %add3A_397 : i32
      %lt3A_399 = arith.constant 104 : i32
      %lt3A_400 = arith.cmpi slt, %add3A_398, %lt3A_399 : i32
      %convert_element_type3A_401 = arith.extui %lt3A_400 : i1 to i32
      %cond3A_402 = arith.constant 0 : i32
      %cond3A_403 = arith.cmpi ne, %convert_element_type3A_401, %cond3A_402 : i32
      scf.if %cond3A_403 {
        %add3A_404 = arith.constant 5 : i32
        %add3A_405 = arith.addi %add3A_366, %add3A_404 : i32
        %dma_start3A_406 = arith.constant 512 : i32
        %dma_start3A_407 = arith.constant 0 : i32
        %dma_start3A_408 = tpu.memref_slice %arg6[%dma_start3A_406, %dma_start3A_407] : memref<1024x64xf32, #tpu.memory_space<vmem>> -> memref<128x64xf32, #tpu.memory_space<vmem>>
        %dma_start3A_409 = arith.constant 0 : i32
        %dma_start3A_410 = tpu.memref_slice %arg5[%add3A_405, %dma_start3A_409] : memref<104x128xi32, #tpu.memory_space<vmem>> -> memref<1x128xi32, #tpu.memory_space<vmem>>
        %dma_start3A_411 = tpu.memref_squeeze %dma_start3A_410 : memref<1x128xi32, #tpu.memory_space<vmem>> -> memref<128xi32, #tpu.memory_space<vmem>>
        %dma_start3A_412 = arith.constant 0 : i32
        %dma_start3A_413 = arith.constant 0 : i32
        %dma_start3A_414 = tpu.memref_slice %arg2[%dma_start3A_412, %dma_start3A_413] : memref<1000000x64xf32, #tpu.memory_space<hbm>> -> memref<1000000x64xf32, #tpu.memory_space<hbm>>
        tpu.enqueue_indirect_dma source(%dma_start3A_414 : memref<1000000x64xf32, #tpu.memory_space<hbm>>) target(%dma_start3A_408 : memref<128x64xf32, #tpu.memory_space<vmem>>) offsets(%dma_start3A_411 : memref<128xi32, #tpu.memory_space<vmem>>) semaphore(%arg11 : memref<!tpu.dma_semaphore, #tpu.memory_space<semaphore_mem>>)
      } else {
      }
    }
    %scan3A_55 = arith.constant 13 : i32
    %dma_wait3A = arith.constant 640 : i32
    %dma_wait3A_56 = arith.constant 0 : i32
    %dma_wait3A_57 = tpu.memref_slice %arg6[%dma_wait3A, %dma_wait3A_56] : memref<1024x64xf32, #tpu.memory_space<vmem>> -> memref<128x64xf32, #tpu.memory_space<vmem>>
    %dma_wait3A_58 = arith.constant 0 : i32
    %dma_wait3A_59 = arith.constant 0 : i32
    %dma_wait3A_60 = tpu.memref_slice %arg2[%dma_wait3A_58, %dma_wait3A_59] : memref<1000000x64xf32, #tpu.memory_space<hbm>> -> memref<128x64xf32, #tpu.memory_space<hbm>>
    %dma_wait3A_61 = arith.constant 640 : i32
    %dma_wait3A_62 = arith.constant 0 : i32
    %dma_wait3A_63 = tpu.memref_slice %arg6[%dma_wait3A_61, %dma_wait3A_62] : memref<1024x64xf32, #tpu.memory_space<vmem>> -> memref<128x64xf32, #tpu.memory_space<vmem>>
    %dma_wait3A_64 = arith.constant 0 : i32
    %dma_wait3A_65 = arith.constant 0 : i32
    %dma_wait3A_66 = tpu.memref_slice %arg2[%dma_wait3A_64, %dma_wait3A_65] : memref<1000000x64xf32, #tpu.memory_space<hbm>> -> memref<128x64xf32, #tpu.memory_space<hbm>>
    tpu.wait_dma2 semaphore(%arg20 : memref<!tpu.dma_semaphore, #tpu.memory_space<semaphore_mem>>) src(%dma_wait3A_66 : memref<128x64xf32, #tpu.memory_space<hbm>>) dst(%dma_wait3A_63 : memref<128x64xf32, #tpu.memory_space<vmem>>)
    %dma_wait3A_67 = arith.constant 768 : i32
    %dma_wait3A_68 = arith.constant 0 : i32
    %dma_wait3A_69 = tpu.memref_slice %arg6[%dma_wait3A_67, %dma_wait3A_68] : memref<1024x64xf32, #tpu.memory_space<vmem>> -> memref<128x64xf32, #tpu.memory_space<vmem>>
    %dma_wait3A_70 = arith.constant 0 : i32
    %dma_wait3A_71 = arith.constant 0 : i32
    %dma_wait3A_72 = tpu.memref_slice %arg2[%dma_wait3A_70, %dma_wait3A_71] : memref<1000000x64xf32, #tpu.memory_space<hbm>> -> memref<128x64xf32, #tpu.memory_space<hbm>>
    %dma_wait3A_73 = arith.constant 768 : i32
    %dma_wait3A_74 = arith.constant 0 : i32
    %dma_wait3A_75 = tpu.memref_slice %arg6[%dma_wait3A_73, %dma_wait3A_74] : memref<1024x64xf32, #tpu.memory_space<vmem>> -> memref<128x64xf32, #tpu.memory_space<vmem>>
    %dma_wait3A_76 = arith.constant 0 : i32
    %dma_wait3A_77 = arith.constant 0 : i32
    %dma_wait3A_78 = tpu.memref_slice %arg2[%dma_wait3A_76, %dma_wait3A_77] : memref<1000000x64xf32, #tpu.memory_space<hbm>> -> memref<128x64xf32, #tpu.memory_space<hbm>>
    tpu.wait_dma2 semaphore(%arg21 : memref<!tpu.dma_semaphore, #tpu.memory_space<semaphore_mem>>) src(%dma_wait3A_78 : memref<128x64xf32, #tpu.memory_space<hbm>>) dst(%dma_wait3A_75 : memref<128x64xf32, #tpu.memory_space<vmem>>)
    %dma_wait3A_79 = arith.constant 896 : i32
    %dma_wait3A_80 = arith.constant 0 : i32
    %dma_wait3A_81 = tpu.memref_slice %arg6[%dma_wait3A_79, %dma_wait3A_80] : memref<1024x64xf32, #tpu.memory_space<vmem>> -> memref<128x64xf32, #tpu.memory_space<vmem>>
    %dma_wait3A_82 = arith.constant 0 : i32
    %dma_wait3A_83 = arith.constant 0 : i32
    %dma_wait3A_84 = tpu.memref_slice %arg2[%dma_wait3A_82, %dma_wait3A_83] : memref<1000000x64xf32, #tpu.memory_space<hbm>> -> memref<128x64xf32, #tpu.memory_space<hbm>>
    %dma_wait3A_85 = arith.constant 896 : i32
    %dma_wait3A_86 = arith.constant 0 : i32
    %dma_wait3A_87 = tpu.memref_slice %arg6[%dma_wait3A_85, %dma_wait3A_86] : memref<1024x64xf32, #tpu.memory_space<vmem>> -> memref<128x64xf32, #tpu.memory_space<vmem>>
    %dma_wait3A_88 = arith.constant 0 : i32
    %dma_wait3A_89 = arith.constant 0 : i32
    %dma_wait3A_90 = tpu.memref_slice %arg2[%dma_wait3A_88, %dma_wait3A_89] : memref<1000000x64xf32, #tpu.memory_space<hbm>> -> memref<128x64xf32, #tpu.memory_space<hbm>>
    tpu.wait_dma2 semaphore(%arg22 : memref<!tpu.dma_semaphore, #tpu.memory_space<semaphore_mem>>) src(%dma_wait3A_90 : memref<128x64xf32, #tpu.memory_space<hbm>>) dst(%dma_wait3A_87 : memref<128x64xf32, #tpu.memory_space<vmem>>)
    return
  }
}

</mosaic_0001>

<sc_bundles>
// kernel: kernel.3.cloned.1.call-start
scs
__scs_entry_jumppad:
0x0: {  	(pc) =	sbr.rel $0x88, $3  }
0x1: {  	(tag) =	ssettag $0x0;
	lr =	simm.s32 $0x1  }
0x2: {  	[smem:$0x3F9F] =	sst lr;
	_ =	strace $0xD0000000  }
0x3: {  	_ = 	snop  }
0x4: {  	_ = 	snop  }
0x5: {  	_ = 	snop  }
0x6: {  	_ = 	snop  }
0x7: {  	_ = 	snop  }
__scs_overlays_trampoline_lowered:
0x8: {  	[smem:$0x3FAE] =	sst s0  }
0x9: {  	[smem:$0x3FAF] =	sst s1  }
0xa: {  	[smem:$0x3FB0] =	sst s2  }
0xb: {  	[smem:$0x3FB1] =	sst s3  }
0xc: {  	[smem:$0x3FB2] =	sst s4  }
0xd: {  	[smem:$0x3FB3] =	sst s5  }
0xe: {  	[smem:$0x3FB4] =	sst s6  }
0xf: {  	[smem:$0x3FB5] =	sst s7  }
0x10: {  	[smem:$0x3FB6] =	sst s8  }
0x11: {  	[smem:$0x3FB7] =	sst s9;
	s0 =	simm.s32 @!p0 $0x0  }
0x12: {  	s1 =	sld [smem:$0x3F9D];
	s0 =	simm.s32 @p0 $0x1  }
0x13: {  	[smem:$0x3FB8] =	sst s0;
	s0 =	simm.s32 @!p1 $0x0  }
0x14: {  	s2 =	sld [smem:$0x3F9C];
	s0 =	simm.s32 @p1 $0x1  }
0x15: {  	[smem:$0x3FB9] =	sst s0;
	s0 =	simm.s32 @!p2 $0x0  }
0x16: {  	s3 =	sld [smem:$0x3FDB];
	s0 =	simm.s32 @p2 $0x1  }
0x17: {  	s4 =	simm.s32 $0x1BF5;
	[smem:$0x3FBB] =	sst s0  }
0x18: {  	s0 =	sld [smem:$0x3F9E];
	_ =	swait.ge [sflag:s4], $0x0  }
0x19: {  	s7 =	sld [smem:$0x3F9F]  }
0x1a: {  	s8 =	sadd.s32 $0xFFFFE003, lr  }
0x1b: {  	s9 =	sadd.s32 $0xFFFFFEF7, lr;
	s5 =	simm.s32 $0xFFFFFFFF;
	p2 =	slt.u32 s8, $0xFFFFF086  }
0x1c: {  	p1 =	slt.u32 s9, $0xF7A;
	s5 =	simm.s32 @!p2 $0x0  }
0x1d: {  	s5 =	simm.s32 @p1 $0x1;
	p0 =	seq.s32 s7, s2  }
0x1e: {  	s7 =	smul.u32 @!p0 $0xF7A, s2;
	p2 =	seq.s32 @!p0 s5, $0x0  }
0x1f: {  	s9 =	smul.u32 $0xF7A, s1;
	s8 =	simm.s32 @!p0 $0x1BF5;
	p2 =	por !p2, p0  }
0x20: {  	[sflag:s8] =	ssyncset.s32 @!p0 $0xFFFFF086;
	s6 =	sadd.s32 @!p0 s3, s7;
	s7 =	simm.s32 @!p0 $0x108  }
0x21: {  	s3 =	sadd.s32 s3, s9;
	s6 =	sadd.s32 @!p0 $0x88, s6;
	s7 =	simm.s32 @p2 $0x1082  }
0x22: {  	[simem:s7], [sflag:s8] =	dma.local @!p0 [hbm:s6], $0xF7A  }
0x23: {  	s9 =	sor.u32 $0xD0000000, s2;
	s6 =	simm.s32 $0x108;
	_ =	swait.ge @!p0 [sflag:s8], $0x0  }
0x24: {  	s3 =	sadd.s32 $0x88, s3;
	s6 =	simm.s32 @!p1 $0x1082;
	[sflag:s4] =	ssyncset.s32 $0xFFFFF086  }
0x25: {  	[simem:s6], [sflag:s4] =	dma.local [hbm:s3], $0xF7A  }
0x26: {  	[smem:$0x3F9F] =	sst s1;
	(tag) =	ssettag s2;
	_ =	strace s9  }
0x27: {  	s1 =	sld [smem:$0x3FAF]  }
0x28: {  	s2 =	sld [smem:$0x3FB0]  }
0x29: {  	s4 =	sld [smem:$0x3FB2]  }
0x2a: {  	p0 =	seq.s32 s5, $0x0;
	s5 =	sld [smem:$0x3FB3]  }
0x2b: {  	s6 =	sld [smem:$0x3FB4]  }
0x2c: {  	s7 =	sld [smem:$0x3FB5]  }
0x2d: {  	s3 =	simm.s32 $0x108;
	s8 =	sld [smem:$0x3FB6]  }
0x2e: {  	s3 =	simm.s32 @!p0 $0x1082;
	s9 =	sld [smem:$0x3FB7]  }
0x2f: {  	lr =	sadd.s32 s0, s3;
	s0 =	sld [smem:$0x3FAE]  }
0x30: {  	s3 =	sld [smem:$0x3FB1]  }
0x31: {  	[smem:$0x3FBA] =	sst s10  }
0x32: {  	s10 =	sld [smem:$0x3FB8];
	_ =	sdelay $0x3  }
0x33: {  	p0 =	seq.s32 s10, $0x1;
	s10 =	sld [smem:$0x3FBA];
	_ =	sdelay $0x3  }
0x34: {  	[smem:$0x3FBA] =	sst s10  }
0x35: {  	s10 =	sld [smem:$0x3FB9];
	_ =	sdelay $0x3  }
0x36: {  	p1 =	seq.s32 s10, $0x1;
	s10 =	sld [smem:$0x3FBA];
	_ =	sdelay $0x3  }
0x37: {  	[smem:$0x3FBA] =	sst s10  }
0x38: {  	s10 =	sld [smem:$0x3FBB]  }
0x39: {  	_ = 	snop;
	(pc) =	sbr.ind lr, $3  }
0x3a: {  	_ = 	snop  }
0x3b: {  	_ = 	snop  }
0x3c: {  	p2 =	seq.s32 s10, $0x1;
	s10 =	sld [smem:$0x3FBA]  }
0x3d: {  	_ =	shalt  }
0x3e: {  	_ =	shalt  }
0x3f: {  	_ =	shalt  }
0x40: {  	_ =	shalt  }
0x41: {  	_ =	shalt  }
0x42: {  	_ =	shalt  }
0x43: {  	_ =	shalt  }
0x44: {  	_ =	shalt  }
0x45: {  	_ =	shalt  }
0x46: {  	_ =	shalt  }
0x47: {  	_ =	shalt  }
0x48: {  	_ =	shalt  }
0x49: {  	_ =	shalt  }
0x4a: {  	_ =	shalt  }
0x4b: {  	_ =	shalt  }
0x4c: {  	_ =	shalt  }
0x4d: {  	_ =	shalt  }
0x4e: {  	_ =	shalt  }
0x4f: {  	_ =	shalt  }
0x50: {  	_ =	shalt  }
0x51: {  	_ =	shalt  }
0x52: {  	_ =	shalt  }
0x53: {  	_ =	shalt  }
0x54: {  	_ =	shalt  }
0x55: {  	_ =	shalt  }
0x56: {  	_ =	shalt  }
0x57: {  	_ =	shalt  }
0x58: {  	_ =	shalt  }
0x59: {  	_ =	shalt  }
0x5a: {  	_ =	shalt  }
0x5b: {  	_ =	shalt  }
0x5c: {  	_ =	shalt  }
0x5d: {  	_ =	shalt  }
0x5e: {  	_ =	shalt  }
0x5f: {  	_ =	shalt  }
0x60: {  	_ =	shalt  }
0x61: {  	_ =	shalt  }
0x62: {  	_ =	shalt  }
0x63: {  	_ =	shalt  }
0x64: {  	_ =	shalt  }
0x65: {  	_ =	shalt  }
0x66: {  	_ =	shalt  }
0x67: {  	_ =	shalt  }
0x68: {  	_ =	shalt  }
0x69: {  	_ =	shalt  }
0x6a: {  	_ =	shalt  }
0x6b: {  	_ =	shalt  }
0x6c: {  	_ =	shalt  }
0x6d: {  	_ =	shalt  }
0x6e: {  	_ =	shalt  }
0x6f: {  	_ =	shalt  }
0x70: {  	_ =	shalt  }
0x71: {  	_ =	shalt  }
0x72: {  	_ =	shalt  }
0x73: {  	_ =	shalt  }
0x74: {  	_ =	shalt  }
0x75: {  	_ =	shalt  }
0x76: {  	_ =	shalt  }
0x77: {  	_ =	shalt  }
0x78: {  	_ =	shalt  }
0x79: {  	_ =	shalt  }
0x7a: {  	_ =	shalt  }
0x7b: {  	_ =	shalt  }
0x7c: {  	_ =	shalt  }
0x7d: {  	_ =	shalt  }
0x7e: {  	_ =	shalt  }
0x7f: {  	_ =	shalt  }
0x80: {  	_ =	shalt  }
0x81: {  	_ =	shalt  }
0x82: {  	_ =	shalt  }
0x83: {  	_ =	shalt  }
0x84: {  	_ =	shalt  }
0x85: {  	_ =	shalt  }
0x86: {  	_ =	shalt  }
0x87: {  	_ =	shalt  }
.Lfunc_end0:
.L_simem_size_0:
called_computation_lowered:
.L_overlay_start_0:
0x88: {  	s2 =	sld [smem:$0x3FD9]  }
0x89: {  	s3 =	sld [smem:$0x3FFE];
	_ =	sdelay $0x1  }
0x8a: {  	s1 =	srdreg.scid  }
0x8b: {  	s0 =	sand.u32 $0x1, s1  }
0x8c: {  	s17 =	sshll.u32 s0, $0xA;
	s2 =	sadd.s32 s3, s2  }
0x8d: {  	s2 =	sadd.s32 s2, s17  }
0x8e: {  	[smem:$0x3FC6] =	sst s2  }
0x8f: {  	_ = 	snop  }
0x90: {  	s2 =	sld [smem:$0x3FD0];
	(tm) =	ssettm $0x1  }
0x91: {  	s18 =	sld [smem:$0x3FFB];
	_ =	sdelay $0x3  }
0x92: {  	_ =	strace s18  }
0x93: {  	s3 =	sld [smem:$0x3FFC];
	_ =	sdelay $0x3  }
0x94: {  	_ =	strace s3  }
0x95: {  	s3 =	sld [smem:$0x3FFD];
	_ =	sdelay $0x3  }
0x96: {  	_ =	strace s3  }
0x97: {  	_ =	strace $0x8FFFFFFF  }
0x98: {  	s19 =	sld [smem:$0x3FDB];
	_ =	sdelay $0x1  }
0x99: {  	s4 =	simm.s32 $_scs_section_size  }
0x9a: {  	s5 =	simm.s32 $_size__tile_overlayer_lowered;
	s6 =	simm.s32 $_tile_overlayer_lowered  }
0x9b: {  	s22 =	simm.s32 $0x1BFF;
	s21 =	sshll.u32 s6, $0x1;
	s3 =	sadd.s32 s4, s19  }
0x9c: {  	s7 =	simm.s32 $0x0;
	s20 =	sshll.u32 s5, $0x1;
	s5 =	sadd.s32 s21, s3  }
0x9d: {  	[timem:s7], [sflag:s22] =	dma.local [hbm:s5], s20  }
0x9e: {  	_ =	swait.ge [sflag:s22], s20  }
0x9f: {  	s4 =	ssub.s32 $0x0, s20;
	[sflag:s22] =	ssyncset.done $0x0  }
0xa0: {  	[sflag:s22] =	ssyncadd.s32 s4;
	_ =	sdelay $0x1  }
0xa1: {  	s23 =	simm.s32 $0x1B8B  }
0xa2: {  	_ =	swait.ge [sflag:s23], $0x1  }
0xa3: {  	[sflag:s23] =	ssyncset.done $0x0  }
0xa4: {  	s25 =	simm.s32 $0x1B8E;
	s24 =	sld [smem:$0x3FFE];
	[sflag:s23] =	ssyncadd.s32 $0xFFFFFFFF  }
0xa5: {  	s26 =	simm.s32 $execute0_lowered;
	[smem:$0x3FD2] =	sst s25  }
0xa6: {  	s5 =	sshll.u32 s26, $0x1;
	_ =	strace $0x80000046;
	[dreg:$0x1] =	wrdreg $0xFFFFFFFF  }
0xa7: {  	s28 =	simm.s32 $_size_execute0_lowered;
	s3 =	sadd.s32 s3, s5;
	[dreg:$0x0] =	wrdreg $0x0  }
0xa8: {  	s5 =	sshll.u32 s28, $0x1;
	[dreg:$0x2] =	wrdreg s3  }
0xa9: {  	[dreg:$0x3] =	wrdreg s5  }
0xaa: {  	[dreg:$0x4] =	wrdreg $0xC0  }
0xab: {  	_ =	task [dreg:s7], $0x5FFFF  }
0xac: {  	[dreg:$0x1] =	wrdreg $0xFFFFFFFF  }
0xad: {  	[dreg:$0x0] =	wrdreg $0x60  }
0xae: {  	[dreg:$0x2] =	wrdreg s24  }
0xaf: {  	[dreg:$0x3] =	wrdreg s2  }
0xb0: {  	[dreg:$0x4] =	wrdreg $0x9  }
0xb1: {  	_ =	task.clear_ibuf [dreg:s7], $0x5FFFF;
	_ =	strace $0x90000046  }
0xb2: {  	s29 =	simm.s32 $0x9;
	_ =	strace $0x80000048  }
0xb3: {  	_ =	swait.ge [sflag:s29], $0x1  }
0xb4: {  	[sflag:s29] =	ssyncadd.s32 $0xFFFFFFFF  }
0xb5: {  	_ =	strace $0x90000048  }
0xb6: {  	_ =	sfence  }
0xb7: {  	s30 =	sld [smem:$0x0];
	_ =	sdelay $0x2  }
0xb8: {  	s31 =	sshll.u32 s1, $0xD;
	s1 =	sshrl.u32 s1, $0x2  }
0xb9: {  	s3 =	sand.u32 $0x4000, s31;
	s1 =	sadd.s32 s1, s30  }
0xba: {  	s0 =	sor.u32 s3, s0;
	s1 =	sshll.u32 s1, $0x11  }
0xbb: {  	s0 =	sor.u32 s1, s0  }
0xbc: {  	s0 =	sadd.s32 $0x8F2B, s0  }
0xbd: {  	[sflag:s0] =	ssyncadd.remote.s32 $0x1  }
0xbe: {  	_ =	sfence.sel $0xFFFF  }
0xbf: {  	[dreg:$0x0] =	wrdreg $0xFFFFFFFF;
	(pc) =	sbr.abs _section_cstart, $3  }
0xc0: {  	[dreg:$0x1] =	wrdreg $0xFFFFFFFF  }
0xc1: {  	_ =	task.clear_ibuf [dreg:s7], $0x2FFFF;
	_ =	strace $0x9FFFFFFF  }
0xc2: {  	(tm) =	ssettm $0x7FFFFFFF  }
0xc3: {  	_ =	shalt  }
tec
execute0_lowered:
.L_overlay_start_1:
0x0: {  	(tag) =	ssettag $0x1  }
0x1: {  	s0 =	rddreg [dreg:$0x0]  }
0x2: {  	s1 =	rddreg [dreg:$0x1];
	s2 =	simm.s32 $0x0  }
0x3: {  	s3 =	srdreg.scid;
	s5 =	stileid.u32;
	s28 =	simm.s32 $0x2  }
0x4: {  	s29 =	simm.s32 $0xF400;
	s30 =	simm.s32 $0x3;
	s31 =	simm.s32 $0x11400  }
0x5: {  	s15 =	simm.s32 $0x8;
	s9 =	simm.s32 $0x0;
	[smem:$0x7FF] =	sst s2  }
0x6: {  	s4 =	sand.u32 $0x1, s3;
	s16 =	sshll.u32 s5, $0x1;
	s3 =	sadd.s32 $0xF42A00, s0  }
0x7: {  	s5 =	smul.u32 $0x1A0000, s5;
	s0 =	sadd.s32 $0x600, s0;
	_ =	strace $0x80000047  }
0x8: {  	s6 =	sor.u32 s4, s16;
	s7 =	smul.u32 $0xD0000, s4;
	s4 =	ssub.s32 $0x2, s4  }
0x9: {  	[dreg:$0x3] =	wrdreg s0;
	s6 =	smul.u32 $0x680, s6;
	s17 =	sshrl.u32 s4, $0x1  }
0xa: {  	s16 =	simm.s32 $0x80;
	s5 =	sadd.s32 s7, s5;
	s0 =	ssub.s32 s4, s17  }
0xb: {  	s4 =	simm.s32 $0xB;
	s17 =	simm.s32 $0xD;
	s1 =	sadd.s32 s1, s6  }
0xc: {  	s18 =	sor.u32 $0x8000, s5;
	s0 =	smax.u32 s0, $0x1;
	s20 =	sor.u32 $0x6000, s5  }
0xd: {  	s21 =	sor.u32 $0x4000, s5;
	s22 =	sor.u32 $0x2000, s5;
	s11 =	sshrl.u32 s5, $0x3  }
0xe: {  	s24 =	sor.u32 $0xE000, s5;
	s25 =	sor.u32 $0xC000, s5;
	s26 =	sor.u32 $0xA000, s5  }
0xf: {  	s5 =	simm.s32 $0x7;
	s6 =	simm.s32 $0xC;
	[dreg:$0x4] =	wrdreg s1  }
0x10: {  	[dreg:$0x5] =	wrdreg s0;
	s19 =	sshrl.u32 s18, $0x3;
	s0 =	sshrl.u32 s20, $0x3  }
0x11: {  	s23 =	sshrl.u32 s22, $0x3;
	s12 =	sshrl.u32 s24, $0x3;
	s13 =	sshrl.u32 s25, $0x3  }
.Ltmp0:
0x12: {  	s14 =	sshrl.u32 s26, $0x3;
	s24 =	simm.s32 $0xB400;
	(pc) =	sbr.rel .LBB2_1-.Ltmp0, $4  }
0x13: {  	s25 =	simm.s32 $0x1;
	s26 =	simm.s32 $0xD400;
	[dreg:$0x6] =	wrdreg s19  }
0x14: {  	s1 =	simm.s32 $0x9;
	[dreg:$0x7] =	wrdreg s0;
	s0 =	sshrl.u32 s21, $0x3  }
0x15: {  	[dreg:$0x9] =	wrdreg s23;
	s19 =	simm.s32 $0x5;
	s21 =	simm.s32 $0xA  }
0x16: {  	s23 =	simm.s32 $0x6;
	[dreg:$0x8] =	wrdreg s0;
	s0 =	simm.s32 $0x4  }
.LBB2_4:
0x17: {  	s7 =	simm.s32 $0xE  }
0x18: {  	_ =	swait.ge [sflag:s7], $0x2000  }
0x19: {  	[sflag:s7] =	ssyncset.done $0x0  }
0x1a: {  	s20 =	simm.s32 $0xF;
	[sflag:s7] =	ssyncadd.s32 $0xFFFFE000  }
0x1b: {  	_ =	swait.ge [sflag:s20], $0x2000  }
0x1c: {  	[sflag:s20] =	ssyncset.done $0x0  }
0x1d: {  	s8 =	simm.s32 $0x10;
	[sflag:s20] =	ssyncadd.s32 $0xFFFFE000  }
0x1e: {  	_ =	swait.ge [sflag:s8], $0x2000  }
0x1f: {  	s9 =	rddreg [dreg:$0xa]  }
0x20: {  	s22 =	rddreg [dreg:$0x5];
	s9 =	sadd.s32 $0x1, s9  }
0x21: {  	p0 =	sne.s32 s9, s22  }
.Ltmp1:
0x22: {  	_ = 	snop;
	(pc) =	sbr.rel @!p0 .LBB2_5-.Ltmp1, $3  }
0x23: {  	_ =	sdelay $0x1  }
0x24: {  	[sflag:s8] =	ssyncset.done $0x0  }
0x25: {  	[sflag:s8] =	ssyncadd.s32 $0xFFFFE000  }
.LBB2_1:
0x26: {  	[dreg:$0xa] =	wrdreg s9  }
0x27: {  	s7 =	rddreg [dreg:$0x4];
	s22 =	simm.s32 $0x11  }
0x28: {  	[tilespmem:s2], [sflag:$0x11] =	stream.linear.gather [hbm4b:s7+s2], $0x3400, $0x38;
	[tilespmem:$0x13400] =	vst v63  }
0x29: {  	_ =	swait.ge [sflag:s22], $0x3400  }
0x2a: {  	[sflag:s22] =	ssyncset.done $0x0  }
0x2b: {  	s8 =	simm.s32 $0x3400;
	[sflag:s22] =	ssyncadd.s32 $0xFFFFCC00  }
0x2c: {  	[tilespmem:s8], [sflag:$0x1] =	stream.indirect.gather [hbm4b:s3+s16], $0x40, s2, s16, $0xb8;
	[tilespmem:$0x13400] =	vst v63  }
0x2d: {  	s9 =	simm.s32 $0x5400  }
0x2e: {  	[tilespmem:s9], [sflag:$0x2] =	stream.indirect.gather [hbm4b:s3+s16], $0x40, s16, s16, $0xb8;
	[tilespmem:$0x13400] =	vst v63  }
0x2f: {  	s10 =	simm.s32 $0x100;
	s8 =	simm.s32 $0x7400  }
0x30: {  	[tilespmem:s8], [sflag:$0x3] =	stream.indirect.gather [hbm4b:s3+s16], $0x40, s10, s16, $0xb8;
	[tilespmem:$0x13400] =	vst v63  }
0x31: {  	s18 =	simm.s32 $0x180;
	s20 =	simm.s32 $0x9400  }
0x32: {  	[tilespmem:s20], [sflag:$0x4] =	stream.indirect.gather [hbm4b:s3+s16], $0x40, s18, s16, $0xb8;
	[tilespmem:$0x13400] =	vst v63  }
0x33: {  	s22 =	simm.s32 $0x200;
	s18 =	rddreg [dreg:$0x3];
	s20 =	simm.s32 $0x0  }
0x34: {  	[tilespmem:s24], [sflag:$0x5] =	stream.indirect.gather [hbm4b:s3+s16], $0x40, s22, s16, $0xb8;
	[tilespmem:$0x13400] =	vst v63  }
.LBB2_2:
0x35: {  	_ =	swait.ge [sflag:s25], $0x2000  }
0x36: {  	s22 =	sadd.s32 s18, s11;
	[sflag:s25] =	ssyncset.done $0x0  }
0x37: {  	s7 =	simm.s32 $0x3400;
	p0 =	seq.s32 s20, $0x0;
	[sflag:s25] =	ssyncadd.s32 $0xFFFFE000  }
0x38: {  	[hbm4b:s22+s2] =	stream.linear.scatter [tilespmem:s7], [sflag:$0x9], $0x2000, $0x38;
	[tilespmem:$0x13400] =	vst v63  }
0x39: {  	s7 =	simm.s32 @!p0 $0xE  }
0x3a: {  	_ =	swait.ge @!p0 [sflag:s7], $0x2000  }
0x3b: {  	s22 =	sshra.s32 s20, $0x2;
	[sflag:s7] =	ssyncset.done @!p0 $0x0  }
0x3c: {  	s8 =	sadd.s32 $0x280, s22;
	[sflag:s7] =	ssyncadd.s32 @!p0 $0xFFFFE000  }
0x3d: {  	[tilespmem:s26], [sflag:$0x6] =	stream.indirect.gather [hbm4b:s3+s16], $0x40, s8, s16, $0xb8;
	[tilespmem:$0x13400] =	vst v63  }
0x3e: {  	_ =	swait.ge [sflag:s28], $0x2000  }
0x3f: {  	[sflag:s28] =	ssyncset.done $0x0;
	s9 =	rddreg [dreg:$0x9]  }
0x40: {  	s8 =	simm.s32 $0x5400;
	[sflag:s28] =	ssyncadd.s32 $0xFFFFE000;
	s7 =	sadd.s32 s18, s9  }
0x41: {  	[hbm4b:s7+s2] =	stream.linear.scatter [tilespmem:s8], [sflag:$0xA], $0x2000, $0x38;
	[tilespmem:$0x13400] =	vst v63  }
0x42: {  	s7 =	simm.s32 @!p0 $0xF  }
0x43: {  	_ =	swait.ge @!p0 [sflag:s7], $0x2000  }
0x44: {  	[sflag:s7] =	ssyncset.done @!p0 $0x0  }
0x45: {  	s10 =	sadd.s32 $0x300, s22;
	[sflag:s7] =	ssyncadd.s32 @!p0 $0xFFFFE000  }
0x46: {  	[tilespmem:s29], [sflag:$0x7] =	stream.indirect.gather [hbm4b:s3+s16], $0x40, s10, s16, $0xb8;
	[tilespmem:$0x13400] =	vst v63  }
0x47: {  	_ =	swait.ge [sflag:s30], $0x2000  }
0x48: {  	[sflag:s30] =	ssyncset.done $0x0;
	s8 =	rddreg [dreg:$0x8]  }
0x49: {  	s9 =	simm.s32 $0x7400;
	[sflag:s30] =	ssyncadd.s32 $0xFFFFE000;
	s7 =	sadd.s32 s18, s8  }
0x4a: {  	[hbm4b:s7+s2] =	stream.linear.scatter [tilespmem:s9], [sflag:$0xB], $0x2000, $0x38;
	[tilespmem:$0x13400] =	vst v63  }
0x4b: {  	s7 =	simm.s32 @!p0 $0x10  }
0x4c: {  	_ =	swait.ge @!p0 [sflag:s7], $0x2000  }
0x4d: {  	[sflag:s7] =	ssyncset.done @!p0 $0x0  }
0x4e: {  	s10 =	sadd.s32 $0x380, s22;
	[sflag:s7] =	ssyncadd.s32 @!p0 $0xFFFFE000  }
0x4f: {  	[tilespmem:s31], [sflag:$0x8] =	stream.indirect.gather [hbm4b:s3+s16], $0x40, s10, s16, $0xb8;
	[tilespmem:$0x13400] =	vst v63  }
0x50: {  	_ =	swait.ge [sflag:s0], $0x2000  }
0x51: {  	[sflag:s0] =	ssyncset.done $0x0;
	s8 =	rddreg [dreg:$0x7]  }
0x52: {  	s9 =	simm.s32 $0x9400;
	[sflag:s0] =	ssyncadd.s32 $0xFFFFE000;
	s7 =	sadd.s32 s18, s8  }
0x53: {  	[hbm4b:s7+s2] =	stream.linear.scatter [tilespmem:s9], [sflag:$0xC], $0x2000, $0x38;
	[tilespmem:$0x13400] =	vst v63  }
0x54: {  	p0 =	seq.s32 s20, $0xC000;
	_ =	swait.ge [sflag:s1], $0x2000  }
0x55: {  	s10 =	simm.s32 @!p0 $0x3400;
	s7 =	sshra.s32 @!p0 s20, $0x2;
	[sflag:s1] =	ssyncset.done $0x0  }
0x56: {  	s9 =	simm.s32 @!p0 $0x80;
	s8 =	sadd.s32 @!p0 $0x400, s7;
	[sflag:s1] =	ssyncadd.s32 $0xFFFFE000  }
0x57: {  	[tilespmem:s10], [sflag:$0x1] =	stream.indirect.gather @!p0 [hbm4b:s3+s9], $0x40, s8, s9, $0xb8;
	[tilespmem:$0x13400] =	vst v63  }
0x58: {  	_ =	swait.ge [sflag:s19], $0x2000  }
0x59: {  	[sflag:s19] =	ssyncset.done $0x0;
	s10 =	rddreg [dreg:$0x6]  }
0x5a: {  	[sflag:s19] =	ssyncadd.s32 $0xFFFFE000;
	s8 =	sadd.s32 s18, s10  }
0x5b: {  	[hbm4b:s8+s2] =	stream.linear.scatter [tilespmem:s24], [sflag:$0xD], $0x2000, $0x38;
	[tilespmem:$0x13400] =	vst v63  }
0x5c: {  	_ =	swait.ge [sflag:s21], $0x2000  }
0x5d: {  	[sflag:s21] =	ssyncset.done $0x0  }
0x5e: {  	s10 =	simm.s32 @!p0 $0x5400;
	s8 =	sadd.s32 @!p0 $0x480, s7;
	[sflag:s21] =	ssyncadd.s32 $0xFFFFE000  }
0x5f: {  	[tilespmem:s10], [sflag:$0x2] =	stream.indirect.gather @!p0 [hbm4b:s3+s9], $0x40, s8, s9, $0xb8;
	[tilespmem:$0x13400] =	vst v63  }
0x60: {  	_ =	swait.ge [sflag:s23], $0x2000  }
0x61: {  	[sflag:s23] =	ssyncset.done $0x0  }
0x62: {  	s10 =	sadd.s32 s18, s14;
	[sflag:s23] =	ssyncadd.s32 $0xFFFFE000  }
0x63: {  	[hbm4b:s10+s2] =	stream.linear.scatter [tilespmem:s26], [sflag:$0xE], $0x2000, $0x38;
	[tilespmem:$0x13400] =	vst v63  }
0x64: {  	_ =	swait.ge [sflag:s4], $0x2000  }
0x65: {  	[sflag:s4] =	ssyncset.done $0x0  }
0x66: {  	s8 =	sadd.s32 @!p0 $0x500, s7;
	s10 =	simm.s32 @!p0 $0x7400;
	[sflag:s4] =	ssyncadd.s32 $0xFFFFE000  }
0x67: {  	[tilespmem:s10], [sflag:$0x3] =	stream.indirect.gather @!p0 [hbm4b:s3+s9], $0x40, s8, s9, $0xb8;
	[tilespmem:$0x13400] =	vst v63  }
0x68: {  	_ =	swait.ge [sflag:s5], $0x2000  }
0x69: {  	[sflag:s5] =	ssyncset.done $0x0  }
0x6a: {  	s10 =	sadd.s32 s18, s13;
	[sflag:s5] =	ssyncadd.s32 $0xFFFFE000  }
0x6b: {  	[hbm4b:s10+s2] =	stream.linear.scatter [tilespmem:s29], [sflag:$0xF], $0x2000, $0x38;
	[tilespmem:$0x13400] =	vst v63  }
0x6c: {  	_ =	swait.ge [sflag:s6], $0x2000  }
0x6d: {  	[sflag:s6] =	ssyncset.done $0x0  }
0x6e: {  	s7 =	sadd.s32 @!p0 $0x580, s7;
	s8 =	simm.s32 @!p0 $0x9400;
	[sflag:s6] =	ssyncadd.s32 $0xFFFFE000  }
0x6f: {  	[tilespmem:s8], [sflag:$0x4] =	stream.indirect.gather @!p0 [hbm4b:s3+s9], $0x40, s7, s9, $0xb8;
	[tilespmem:$0x13400] =	vst v63  }
0x70: {  	_ =	swait.ge [sflag:s15], $0x2000  }
0x71: {  	[sflag:s15] =	ssyncset.done $0x0  }
.Ltmp2:
0x72: {  	s10 =	sadd.s32 s18, s12;
	[sflag:s15] =	ssyncadd.s32 $0xFFFFE000;
	(pc) =	sbr.rel @p0 .LBB2_4-.Ltmp2, $4  }
0x73: {  	[hbm4b:s10+s2] =	stream.linear.scatter [tilespmem:s31], [sflag:$0x10], $0x2000, $0x38;
	[tilespmem:$0x13400] =	vst v63  }
0x74: {  	_ =	swait.ge [sflag:s17], $0x2000  }
0x75: {  	[sflag:s17] =	ssyncset.done $0x0  }
0x76: {  	[sflag:s17] =	ssyncadd.s32 $0xFFFFE000  }
.Ltmp3:
0x77: {  	(pc) =	sbr.rel .LBB2_2-.Ltmp3, $3  }
0x78: {  	_ =	sdelay $0x1  }
0x79: {  	s7 =	sadd.s32 $0x600, s22;
	s20 =	sadd.s32 $0x1000, s20;
	s18 =	sadd.s32 $0x2000, s18  }
0x7a: {  	[tilespmem:s24], [sflag:$0x5] =	stream.indirect.gather [hbm4b:s3+s16], $0x40, s7, s16, $0xb8;
	[tilespmem:$0x13400] =	vst v63  }
.LBB2_5:
0x7b: {  	_ =	sfence.sel $0x180000  }
0x7c: {  	[bflag:$0x0] =	sbarrier.arrive $0xFFFF  }
0x7d: {  	_ =	strace $0x90000047  }
0x7e: {  	s0 =	stileid.u32;
	[bflag:$0x2] =	sbarrier.arrive $0xFFFF  }
0x7f: {  	p0 =	sne.s32 s0, $0x0;
	s0 =	rddreg [dreg:$0x2]  }
0x80: {  	s0 =	sadd.s32 @!p0 $0x100000, s0  }
0x81: {  	[sflag:s0] =	ssyncadd.tile.s32 @!p0 $0x1;
	_ =	shalt  }
.Lfunc_end2:
_tile_overlayer_lowered:
.L_overlay_start_2:
0x82: {  	(tag) =	ssettag $0x2  }
0x83: {  	s0 =	rddreg [dreg:$0x0];
	s2 =	stileid.u32  }
0x84: {  	s1 =	rddreg [dreg:$0x1];
	p0 =	sne.s32 s2, $0x0  }
0x85: {  	s3 =	rddreg [dreg:$0x2];
	[bflag:$0x3] =	sbarrier.arrive $0xFFFF;
	s2 =	simm.s32 @!p0 $0x1C11  }
0x86: {  	[timem:s3], [sflag:s2] =	dma.local @!p0 [hbm:s0], s1  }
0x87: {  	s0 =	simm.s32 @!p0 $0x11  }
0x88: {  	_ =	swait.ge @!p0 [sflag:s0], s1  }
0x89: {  	s1 =	ssub.s32 @!p0 $0x0, s1;
	[sflag:s0] =	ssyncset.done @!p0 $0x0  }
0x8a: {  	[sflag:s0] =	ssyncadd.s32 @!p0 s1  }
0x8b: {  	[bflag:$0x3] =	sbarrier.arrive $0xFFFF  }
0x8c: {  	_ =	shalt  }

</sc_bundles>
